<compile_context>
chip_gen: v7x
topology: tpu7x:2x2x1
jax: 0.10.2.dev20260603
libtpu: 0.0.44.dev20260713+nightly
codegen_flags: <defaults>
</compile_context>

<pallas_src>
import dataclasses
import functools

import jax
import jax.numpy as jnp
from jax import lax
from jax.experimental import pallas as pl
from jax.experimental.pallas import tpu as pltpu
from jax.experimental.pallas import tpu_sc as plsc

NX = 256
NY = 256
NXP = NX + 2
NYP = NY + 2
IMGW = 66688
SIGMA = 30.0
N_SAMPLES = 32
EVENT_NUM = 400000
GAUSS_A = -0.5 / (SIGMA * SIGMA)

NW = 32
CHUNK = 512
NCHUNK = 25
EPW = CHUNK * NCHUNK
EPAD = NW * EPW
NROW = 9


def _corner_idx(fx, fy):
    fxc = jnp.minimum(jnp.maximum(fx, 0.0), float(NX) + 0.5)
    fyc = jnp.minimum(jnp.maximum(fy, 0.0), float(NY) + 0.5)
    x0 = fxc.astype(jnp.int32)
    y0 = fyc.astype(jnp.int32)
    wx1 = fxc - x0.astype(jnp.float32)
    wy1 = fyc - y0.astype(jnp.float32)
    wx0 = 1.0 - wx1
    wy0 = 1.0 - wy1
    i00 = x0 * NYP + y0
    i01 = i00 + 1
    i10 = i00 + NYP
    i11 = i00 + (NYP + 1)
    return ((i00, wx0 * wy0), (i01, wx0 * wy1),
            (i10, wx1 * wy0), (i11, wx1 * wy1))


def _sc_kernel(img_hbm, ev_hbm, out_hbm, img_v, ev_v, diff_v, sem):
    wid = lax.axis_index("s") * 2 + lax.axis_index("c")
    lanes_true = lax.iota(jnp.int32, 16) >= 0

    pltpu.async_copy(img_hbm, img_v, sem).wait()

    @pl.loop(0, NCHUNK)
    def _chunk_p(c):
        pltpu.async_copy(ev_hbm.at[wid, c], ev_v, sem).wait()

        @plsc.parallel_loop(0, CHUNK // 16, unroll=2)
        def _vec_p(v):
            sl = pl.ds(v * 16, 16)
            fx0 = ev_v[0, sl]
            fy0 = ev_v[1, sl]
            dfx = ev_v[2, sl]
            dfy = ev_v[3, sl]
            w0 = ev_v[4, sl]
            r0 = ev_v[5, sl]
            qq = ev_v[6, sl]
            s2 = ev_v[7, sl]
            ps = ev_v[8, sl]

            def body(j, carry):
                fx, fy, w, r, acc = carry
                fxb = fx + dfx
                fyb = fy + dfy
                wb = w * r
                rb = r * qq
                csum = None
                for idx, cw in _corner_idx(fx, fy):
                    g = cw * plsc.load_gather(img_v, [idx])
                    csum = g if csum is None else csum + g
                csb = None
                for idx, cw in _corner_idx(fxb, fyb):
                    g = cw * plsc.load_gather(img_v, [idx])
                    csb = g if csb is None else csb + g
                acc = acc + csum * w + csb * wb
                return (fxb + dfx, fyb + dfy, wb * rb, rb * qq, acc)

            acc0 = jnp.zeros((16,), jnp.float32)
            acc = lax.fori_loop(0, N_SAMPLES // 2, body,
                                (fx0, fy0, w0, r0, acc0))[4]
            diff_v[pl.ds(c * CHUNK + v * 16, 16)] = acc * s2 - ps

    @plsc.parallel_loop(0, IMGW, step=16, unroll=4)
    def _zero(i):
        img_v[pl.ds(i, 16)] = jnp.zeros((16,), jnp.float32)

    @pl.loop(0, NCHUNK)
    def _chunk_b(c):
        pltpu.async_copy(ev_hbm.at[wid, c], ev_v, sem).wait()

        @plsc.parallel_loop(0, CHUNK // 16, unroll=2)
        def _vec_b(v):
            sl = pl.ds(v * 16, 16)
            fx0 = ev_v[0, sl]
            fy0 = ev_v[1, sl]
            dfx = ev_v[2, sl]
            dfy = ev_v[3, sl]
            w0 = ev_v[4, sl]
            r0 = ev_v[5, sl]
            qq = ev_v[6, sl]
            dv = diff_v[pl.ds(c * CHUNK + v * 16, 16)]

            def body(j, carry):
                fx, fy, w, r = carry
                fxb = fx + dfx
                fyb = fy + dfy
                wb = w * r
                rb = r * qq
                val = dv * w
                valb = dv * wb
                for idx, cw in _corner_idx(fx, fy):
                    plsc.addupdate_scatter(img_v, [idx], cw * val,
                                           mask=lanes_true)
                for idx, cw in _corner_idx(fxb, fyb):
                    plsc.addupdate_scatter(img_v, [idx], cw * valb,
                                           mask=lanes_true)
                return (fxb + dfx, fyb + dfy, wb * rb, rb * qq)

            lax.fori_loop(0, N_SAMPLES // 2, body, (fx0, fy0, w0, r0))

    pltpu.async_copy(img_v, out_hbm.at[wid], sem).wait()


@jax.jit
def _sc_call(img_flat, ev):
    mesh = plsc.VectorSubcoreMesh(core_axis_name="c", subcore_axis_name="s")
    cp = pltpu.CompilerParams()
    if "needs_layout_passes" in pltpu.CompilerParams.__dataclass_fields__:
        cp = dataclasses.replace(cp, needs_layout_passes=False)
    f = functools.partial(
        pl.kernel,
        out_type=jax.ShapeDtypeStruct((NW, IMGW), jnp.float32),
        mesh=mesh,
        scratch_types=[
            pltpu.VMEM((IMGW,), jnp.float32),
            pltpu.VMEM((NROW, CHUNK), jnp.float32),
            pltpu.VMEM((EPW,), jnp.float32),
            pltpu.SemaphoreType.DMA,
        ],
        compiler_params=cp,
    )(_sc_kernel)
    return f(img_flat, ev)


def _combine_body(s_ref, acc_ref, img_ref, o_ref):
    o_ref[...] = img_ref[...] - s_ref[0] * jnp.sum(acc_ref[...], axis=0)


@jax.jit
def _combine(s_factor, accs, img_flat):
    return pl.pallas_call(
        _combine_body,
        in_specs=[
            pl.BlockSpec(memory_space=pltpu.SMEM),
            pl.BlockSpec((NW, IMGW), lambda: (0, 0)),
            pl.BlockSpec((IMGW,), lambda: (0,)),
        ],
        out_specs=pl.BlockSpec((IMGW,), lambda: (0,)),
        out_shape=jax.ShapeDtypeStruct((IMGW,), jnp.float32),
    )(s_factor, accs, img_flat)


def kernel(s_factor, image, projection_data, tof_value,
           x1l, y1l, x1r, y1r, x2l, y2l, x2r, y2r):
    p1x = 0.5 * (x1l + x1r)
    p1y = 0.5 * (y1l + y1r)
    p2x = 0.5 * (x2l + x2r)
    p2y = 0.5 * (y2l + y2r)
    dxl = p2x - p1x
    dyl = p2y - p1y
    ll = jnp.sqrt(dxl * dxl + dyl * dyl)
    step = ll / (N_SAMPLES - 1.0)
    uu = 0.5 * ll + tof_value
    astep = GAUSS_A * step
    w0 = jnp.exp((GAUSS_A * uu) * uu)
    r0 = jnp.exp(astep * (step - 2.0 * uu))
    qq = jnp.exp(2.0 * astep * step)
    bias = NX / 2 - 0.5 + 1.0
    rows = jnp.stack(
        [p1x + bias, p1y + bias, dxl / (N_SAMPLES - 1.0),
         dyl / (N_SAMPLES - 1.0), w0, r0, qq, step * step,
         projection_data * step], 0)
    rows = jnp.pad(rows, ((0, 0), (0, EPAD - EVENT_NUM)))
    ev = rows.reshape(NROW, NW, NCHUNK, CHUNK).transpose(1, 2, 0, 3)
    img_flat = jnp.pad(image[0, 0], ((1, 1), (1, 1))).reshape(-1)
    img_flat = jnp.pad(img_flat, (0, IMGW - NXP * NYP))
    accs = _sc_call(img_flat, ev)
    out = _combine(s_factor, accs, img_flat)
    out = out[:NXP * NYP].reshape(NXP, NYP)[1:-1, 1:-1]
    return out.reshape(1, 1, NX, NY)

# --- scband reference (transcript-rebuilt; emitter-appended) ---
"""Pipeline reference for scband-bpmapping-51342039056773 (READ-ONLY COPY).

The authoritative reference and input builder live on the scoring server;
editing this copy changes nothing except your own understanding.
"""

import jax, jax.numpy as jnp
import numpy as np

NX = 256
NY = 256
DX = 1.0
DY = 1.0
SIGMA = 30.0
N_SAMPLES = 32
EVENT_NUM = 400000
RING_R = 180.0
CRYSTAL_HW = 2.0


def setup_inputs(seed: int = 0):
    key = jax.random.key(seed)
    ks = jax.random.split(key, 6)
    image = jax.random.uniform(ks[0], (1, 1, NX, NY), dtype=jnp.float32)
    projection_data = jax.random.uniform(ks[1], (EVENT_NUM,), dtype=jnp.float32)
    phi1 = jax.random.uniform(ks[2], (EVENT_NUM,), minval=0.0, maxval=2.0 * np.pi)
    dphi = jax.random.uniform(ks[3], (EVENT_NUM,), minval=-0.4, maxval=0.4)
    phi2 = phi1 + np.pi + dphi
    x1c = RING_R * jnp.cos(phi1)
    y1c = RING_R * jnp.sin(phi1)
    x2c = RING_R * jnp.cos(phi2)
    y2c = RING_R * jnp.sin(phi2)
    tx1 = -jnp.sin(phi1); ty1 = jnp.cos(phi1)
    tx2 = -jnp.sin(phi2); ty2 = jnp.cos(phi2)
    tof_value = jax.random.uniform(ks[4], (EVENT_NUM,), minval=-40.0, maxval=40.0).astype(jnp.float32)
    s_factor = jnp.array([0.5], dtype=jnp.float32)
    return {
        's_factor': s_factor,
        'image': image,
        'projection_data': projection_data,
        'tof_value': tof_value,
        'x1l': (x1c - CRYSTAL_HW * tx1).astype(jnp.float32),
        'y1l': (y1c - CRYSTAL_HW * ty1).astype(jnp.float32),
        'x1r': (x1c + CRYSTAL_HW * tx1).astype(jnp.float32),
        'y1r': (y1c + CRYSTAL_HW * ty1).astype(jnp.float32),
        'x2l': (x2c - CRYSTAL_HW * tx2).astype(jnp.float32),
        'y2l': (y2c - CRYSTAL_HW * ty2).astype(jnp.float32),
        'x2r': (x2c + CRYSTAL_HW * tx2).astype(jnp.float32),
        'y2r': (y2c + CRYSTAL_HW * ty2).astype(jnp.float32),
    }


def _geom(tof, p1x, p1y, p2x, p2y):
    t = jnp.linspace(0.0, 1.0, N_SAMPLES).astype(jnp.float32)
    dxl = p2x - p1x
    dyl = p2y - p1y
    L = jnp.sqrt(dxl * dxl + dyl * dyl)
    px = p1x[:, None] + t[None, :] * dxl[:, None]
    py = p1y[:, None] + t[None, :] * dyl[:, None]
    s = (t[None, :] - 0.5) * L[:, None]
    w = jnp.exp(-0.5 * ((s - tof[:, None]) / SIGMA) ** 2)
    step = L / (N_SAMPLES - 1)
    fx = px / DX + NX / 2 - 0.5
    fy = py / DY + NY / 2 - 0.5
    return fx, fy, w, step


def _corners(fx, fy):
    x0 = jnp.floor(fx).astype(jnp.int32)
    y0 = jnp.floor(fy).astype(jnp.int32)
    x1 = x0 + 1
    y1 = y0 + 1
    wx1 = fx - x0.astype(jnp.float32)
    wx0 = 1.0 - wx1
    wy1 = fy - y0.astype(jnp.float32)
    wy0 = 1.0 - wy1
    return [(x0, y0, wx0 * wy0), (x0, y1, wx0 * wy1), (x1, y0, wx1 * wy0), (x1, y1, wx1 * wy1)]


def _project(img2d, fx, fy, w, step):
    acc = jnp.zeros_like(fx)
    for xi, yi, cw in _corners(fx, fy):
        valid = (xi >= 0) & (xi < NX) & (yi >= 0) & (yi < NY)
        xc = jnp.clip(xi, 0, NX - 1)
        yc = jnp.clip(yi, 0, NY - 1)
        acc = acc + jnp.where(valid, cw * img2d[xc, yc], 0.0)
    return jnp.sum(acc * w, axis=1) * step


def _backproject(proj, fx, fy, w, step):
    val = proj[:, None] * w * step[:, None]
    flat = jnp.zeros((NX * NY,), dtype=jnp.float32)
    for xi, yi, cw in _corners(fx, fy):
        valid = (xi >= 0) & (xi < NX) & (yi >= 0) & (yi < NY)
        xc = jnp.clip(xi, 0, NX - 1)
        yc = jnp.clip(yi, 0, NY - 1)
        contrib = jnp.where(valid, cw * val, 0.0)
        flat = flat.at[(xc * NY + yc).ravel()].add(contrib.ravel())
    return flat.reshape(NX, NY)


def reference(s_factor, image, projection_data, tof_value, x1l, y1l, x1r, y1r, x2l, y2l, x2r, y2r):
    p1x = 0.5 * (x1l + x1r)
    p1y = 0.5 * (y1l + y1r)
    p2x = 0.5 * (x2l + x2r)
    p2y = 0.5 * (y2l + y2r)
    fx, fy, w, step = _geom(tof_value, p1x, p1y, p2x, p2y)
    img2d = image[0, 0]
    projection_new = _project(img2d, fx, fy, w, step)
    projection_diff = projection_new - projection_data
    back_diff = _backproject(projection_diff, fx, fy, w, step)
    s_diff = back_diff[None, None, :, :] * s_factor
    result = image - s_diff
    return result

if __name__ == "__main__":
    import jax
    _d = setup_inputs()
    print(jax.jit(kernel)(*tuple(_d.values())))

</pallas_src>

<mosaic_0001>
#map = affine_map<(d0, d1) -> (0)>
#map1 = affine_map<(d0, d1) -> (0, 0, 0, 0)>
#map2 = affine_map<(d0, d1) -> (0, 0)>
module attributes {stable_mosaic.version = 14 : i64} {
  func.func @_sc_kernel(%arg0: i32, %arg1: i32, %arg2: memref<66688xf32, #tpu.memory_space<hbm>>, %arg3: memref<32x25x9x512xf32, #tpu.memory_space<hbm>>, %arg4: memref<32x66688xf32, #tpu.memory_space<hbm>>, %arg5: memref<66688xf32, #tpu.memory_space<vmem>>, %arg6: memref<9x512xf32, #tpu.memory_space<vmem>>, %arg7: memref<12800xf32, #tpu.memory_space<vmem>>, %arg8: memref<!tpu.dma_semaphore, #tpu.memory_space<semaphore_mem>>) attributes {dimension_semantics = [#tpu.dimension_semantics<core_parallel>, #tpu.dimension_semantics<subcore_parallel>], iteration_bounds = array<i64: 2, 16>, scalar_prefetch = 0 : i64, scratch_operands = 4 : i64, tpu.core_type = #tpu.core_type<sc_vector_subcore>, window_params = [{transform_indices = #map}, {transform_indices = #map1}, {transform_indices = #map2}]} {
    %mul3A = arith.constant 2 : i32
    %mul3A_0 = arith.muli %arg1, %mul3A : i32
    %add3A = arith.addi %mul3A_0, %arg0 : i32
    %iota3A = tpu.iota {dimensions = array<i32: 0>} : vector<16xi32>
    %ge3A = arith.constant 0 : i32
    %ge3A_1 = vector.broadcast %ge3A : i32 to vector<16xi32>
    %ge3A_2 = arith.cmpi sge, %iota3A, %ge3A_1 : vector<16xi32>
    tpu.enqueue_dma source(%arg2 : memref<66688xf32, #tpu.memory_space<hbm>>) target(%arg5 : memref<66688xf32, #tpu.memory_space<vmem>>) target_semaphore(%arg8 : memref<!tpu.dma_semaphore, #tpu.memory_space<semaphore_mem>>)
    tpu.wait_dma2 semaphore(%arg8 : memref<!tpu.dma_semaphore, #tpu.memory_space<semaphore_mem>>) src(%arg2 : memref<66688xf32, #tpu.memory_space<hbm>>) dst(%arg5 : memref<66688xf32, #tpu.memory_space<vmem>>)
    %scan3A = arith.constant 0 : i32
    %scan3A_3 = arith.constant 25 : i32
    %scan3A_4 = arith.addi %scan3A, %scan3A_3 : i32
    %scan3A_5 = arith.constant 1 : i32
    scf.for %scan3A_24 = %scan3A to %scan3A_4 step %scan3A_5  : i32 {
      %mul3A_25 = arith.constant 1 : i32
      %mul3A_26 = arith.muli %scan3A_24, %mul3A_25 : i32
      %add3A_27 = arith.constant 0 : i32
      %add3A_28 = arith.addi %add3A_27, %mul3A_26 : i32
      %dma_start3A_29 = arith.constant 0 : i32
      %dma_start3A_30 = arith.constant 0 : i32
      %dma_start3A_31 = tpu.memref_slice %arg3[%add3A, %add3A_28, %dma_start3A_29, %dma_start3A_30] : memref<32x25x9x512xf32, #tpu.memory_space<hbm>> -> memref<1x1x9x512xf32, #tpu.memory_space<hbm>>
      %dma_start3A_32 = tpu.memref_squeeze %dma_start3A_31 : memref<1x1x9x512xf32, #tpu.memory_space<hbm>> -> memref<9x512xf32, #tpu.memory_space<hbm>>
      %dma_start3A_33 = arith.constant 0 : i32
      %dma_start3A_34 = arith.constant 0 : i32
      %dma_start3A_35 = tpu.memref_slice %arg3[%add3A, %add3A_28, %dma_start3A_33, %dma_start3A_34] : memref<32x25x9x512xf32, #tpu.memory_space<hbm>> -> memref<1x1x9x512xf32, #tpu.memory_space<hbm>>
      %dma_start3A_36 = tpu.memref_squeeze %dma_start3A_35 : memref<1x1x9x512xf32, #tpu.memory_space<hbm>> -> memref<9x512xf32, #tpu.memory_space<hbm>>
      tpu.enqueue_dma source(%dma_start3A_36 : memref<9x512xf32, #tpu.memory_space<hbm>>) target(%arg6 : memref<9x512xf32, #tpu.memory_space<vmem>>) target_semaphore(%arg8 : memref<!tpu.dma_semaphore, #tpu.memory_space<semaphore_mem>>)
      %dma_wait3A_37 = arith.constant 0 : i32
      %dma_wait3A_38 = arith.constant 0 : i32
      %dma_wait3A_39 = tpu.memref_slice %arg3[%add3A, %add3A_28, %dma_wait3A_37, %dma_wait3A_38] : memref<32x25x9x512xf32, #tpu.memory_space<hbm>> -> memref<1x1x9x512xf32, #tpu.memory_space<hbm>>
      %dma_wait3A_40 = tpu.memref_squeeze %dma_wait3A_39 : memref<1x1x9x512xf32, #tpu.memory_space<hbm>> -> memref<9x512xf32, #tpu.memory_space<hbm>>
      %dma_wait3A_41 = arith.constant 0 : i32
      %dma_wait3A_42 = arith.constant 0 : i32
      %dma_wait3A_43 = tpu.memref_slice %arg3[%add3A, %add3A_28, %dma_wait3A_41, %dma_wait3A_42] : memref<32x25x9x512xf32, #tpu.memory_space<hbm>> -> memref<1x1x9x512xf32, #tpu.memory_space<hbm>>
      %dma_wait3A_44 = tpu.memref_squeeze %dma_wait3A_43 : memref<1x1x9x512xf32, #tpu.memory_space<hbm>> -> memref<9x512xf32, #tpu.memory_space<hbm>>
      tpu.wait_dma2 semaphore(%arg8 : memref<!tpu.dma_semaphore, #tpu.memory_space<semaphore_mem>>) src(%dma_wait3A_44 : memref<9x512xf32, #tpu.memory_space<hbm>>) dst(%arg6 : memref<9x512xf32, #tpu.memory_space<vmem>>)
      %parallel_loop3A_45 = arith.constant 0 : i32
      %parallel_loop3A_46 = arith.constant 32 : i32
      %parallel_loop3A_47 = arith.constant 1 : i32
      scf.for %parallel_loop3A_48 = %parallel_loop3A_45 to %parallel_loop3A_46 step %parallel_loop3A_47  : i32 {
        %parallel_loop3A_49 = arith.constant 16 : i32
        %parallel_loop3A_50 = arith.muli %parallel_loop3A_48, %parallel_loop3A_49 : i32
        %parallel_loop3A_51 = arith.constant 0 : i32
        %parallel_loop3A_52 = arith.index_cast %parallel_loop3A_51 : i32 to index
        %parallel_loop3A_53 = arith.index_cast %parallel_loop3A_50 : i32 to index
        %parallel_loop3A_54 = tpu.vector_load %arg6[%parallel_loop3A_52, %parallel_loop3A_53] {strides = array<i32>} : memref<9x512xf32, #tpu.memory_space<vmem>>, vector<16xf32>,
        %parallel_loop3A_55 = arith.constant 1 : i32
        %parallel_loop3A_56 = arith.index_cast %parallel_loop3A_55 : i32 to index
        %parallel_loop3A_57 = arith.index_cast %parallel_loop3A_50 : i32 to index
        %parallel_loop3A_58 = tpu.vector_load %arg6[%parallel_loop3A_56, %parallel_loop3A_57] {strides = array<i32>} : memref<9x512xf32, #tpu.memory_space<vmem>>, vector<16xf32>,
        %parallel_loop3A_59 = arith.constant 2 : i32
        %parallel_loop3A_60 = arith.index_cast %parallel_loop3A_59 : i32 to index
        %parallel_loop3A_61 = arith.index_cast %parallel_loop3A_50 : i32 to index
        %parallel_loop3A_62 = tpu.vector_load %arg6[%parallel_loop3A_60, %parallel_loop3A_61] {strides = array<i32>} : memref<9x512xf32, #tpu.memory_space<vmem>>, vector<16xf32>,
        %parallel_loop3A_63 = arith.constant 3 : i32
        %parallel_loop3A_64 = arith.index_cast %parallel_loop3A_63 : i32 to index
        %parallel_loop3A_65 = arith.index_cast %parallel_loop3A_50 : i32 to index
        %parallel_loop3A_66 = tpu.vector_load %arg6[%parallel_loop3A_64, %parallel_loop3A_65] {strides = array<i32>} : memref<9x512xf32, #tpu.memory_space<vmem>>, vector<16xf32>,
        %parallel_loop3A_67 = arith.constant 4 : i32
        %parallel_loop3A_68 = arith.index_cast %parallel_loop3A_67 : i32 to index
        %parallel_loop3A_69 = arith.index_cast %parallel_loop3A_50 : i32 to index
        %parallel_loop3A_70 = tpu.vector_load %arg6[%parallel_loop3A_68, %parallel_loop3A_69] {strides = array<i32>} : memref<9x512xf32, #tpu.memory_space<vmem>>, vector<16xf32>,
        %parallel_loop3A_71 = arith.constant 5 : i32
        %parallel_loop3A_72 = arith.index_cast %parallel_loop3A_71 : i32 to index
        %parallel_loop3A_73 = arith.index_cast %parallel_loop3A_50 : i32 to index
        %parallel_loop3A_74 = tpu.vector_load %arg6[%parallel_loop3A_72, %parallel_loop3A_73] {strides = array<i32>} : memref<9x512xf32, #tpu.memory_space<vmem>>, vector<16xf32>,
        %parallel_loop3A_75 = arith.constant 6 : i32
        %parallel_loop3A_76 = arith.index_cast %parallel_loop3A_75 : i32 to index
        %parallel_loop3A_77 = arith.index_cast %parallel_loop3A_50 : i32 to index
        %parallel_loop3A_78 = tpu.vector_load %arg6[%parallel_loop3A_76, %parallel_loop3A_77] {strides = array<i32>} : memref<9x512xf32, #tpu.memory_space<vmem>>, vector<16xf32>,
        %parallel_loop3A_79 = arith.constant 7 : i32
        %parallel_loop3A_80 = arith.index_cast %parallel_loop3A_79 : i32 to index
        %parallel_loop3A_81 = arith.index_cast %parallel_loop3A_50 : i32 to index
        %parallel_loop3A_82 = tpu.vector_load %arg6[%parallel_loop3A_80, %parallel_loop3A_81] {strides = array<i32>} : memref<9x512xf32, #tpu.memory_space<vmem>>, vector<16xf32>,
        %parallel_loop3A_83 = arith.constant 8 : i32
        %parallel_loop3A_84 = arith.index_cast %parallel_loop3A_83 : i32 to index
        %parallel_loop3A_85 = arith.index_cast %parallel_loop3A_50 : i32 to index
        %parallel_loop3A_86 = tpu.vector_load %arg6[%parallel_loop3A_84, %parallel_loop3A_85] {strides = array<i32>} : memref<9x512xf32, #tpu.memory_space<vmem>>, vector<16xf32>,
        %parallel_loop3A_87 = arith.constant 0.000000e+00 : f32
        %parallel_loop3A_88 = vector.broadcast %parallel_loop3A_87 : f32 to vector<16xf32>
        %parallel_loop3A_89 = arith.constant 0 : i32
        %parallel_loop3A_90 = arith.constant 16 : i32
        %parallel_loop3A_91 = arith.addi %parallel_loop3A_89, %parallel_loop3A_90 : i32
        %parallel_loop3A_92 = arith.constant 1 : i32
        %parallel_loop3A_93:5 = scf.for %scan3A_104 = %parallel_loop3A_89 to %parallel_loop3A_91 step %parallel_loop3A_92 iter_args(%scan3A_105 = %parallel_loop3A_54, %scan3A_106 = %parallel_loop3A_58, %scan3A_107 = %parallel_loop3A_70, %scan3A_108 = %parallel_loop3A_74, %scan3A_109 = %parallel_loop3A_88) -> (vector<16xf32>, vector<16xf32>, vector<16xf32>, vector<16xf32>, vector<16xf32>)  : i32 {
          %parallel_loop3A_110 = arith.addf %scan3A_105, %parallel_loop3A_62 : vector<16xf32>
          %parallel_loop3A_111 = arith.addf %scan3A_106, %parallel_loop3A_66 : vector<16xf32>
          %parallel_loop3A_112 = arith.mulf %scan3A_107, %scan3A_108 : vector<16xf32>
          %parallel_loop3A_113 = arith.mulf %scan3A_108, %parallel_loop3A_78 : vector<16xf32>
          %parallel_loop3A_114 = arith.constant 0.000000e+00 : f32
          %parallel_loop3A_115 = vector.broadcast %parallel_loop3A_114 : f32 to vector<16xf32>
          %parallel_loop3A_116 = arith.maximumf %scan3A_105, %parallel_loop3A_115 : vector<16xf32>
          %parallel_loop3A_117 = arith.constant 2.565000e+02 : f32
          %parallel_loop3A_118 = vector.broadcast %parallel_loop3A_117 : f32 to vector<16xf32>
          %parallel_loop3A_119 = arith.minimumf %parallel_loop3A_116, %parallel_loop3A_118 : vector<16xf32>
          %parallel_loop3A_120 = arith.constant 0.000000e+00 : f32
          %parallel_loop3A_121 = vector.broadcast %parallel_loop3A_120 : f32 to vector<16xf32>
          %parallel_loop3A_122 = arith.maximumf %scan3A_106, %parallel_loop3A_121 : vector<16xf32>
          %parallel_loop3A_123 = arith.constant 2.565000e+02 : f32
          %parallel_loop3A_124 = vector.broadcast %parallel_loop3A_123 : f32 to vector<16xf32>
          %parallel_loop3A_125 = arith.minimumf %parallel_loop3A_122, %parallel_loop3A_124 : vector<16xf32>
          %parallel_loop3A_126 = arith.fptosi %parallel_loop3A_119 : vector<16xf32> to vector<16xi32>
          %parallel_loop3A_127 = arith.fptosi %parallel_loop3A_125 : vector<16xf32> to vector<16xi32>
          %parallel_loop3A_128 = arith.sitofp %parallel_loop3A_126 : vector<16xi32> to vector<16xf32>
          %parallel_loop3A_129 = arith.subf %parallel_loop3A_119, %parallel_loop3A_128 : vector<16xf32>
          %parallel_loop3A_130 = arith.sitofp %parallel_loop3A_127 : vector<16xi32> to vector<16xf32>
          %parallel_loop3A_131 = arith.subf %parallel_loop3A_125, %parallel_loop3A_130 : vector<16xf32>
          %parallel_loop3A_132 = arith.constant 1.000000e+00 : f32
          %parallel_loop3A_133 = vector.broadcast %parallel_loop3A_132 : f32 to vector<16xf32>
          %parallel_loop3A_134 = arith.subf %parallel_loop3A_133, %parallel_loop3A_129 : vector<16xf32>
          %parallel_loop3A_135 = arith.constant 1.000000e+00 : f32
          %parallel_loop3A_136 = vector.broadcast %parallel_loop3A_135 : f32 to vector<16xf32>
          %parallel_loop3A_137 = arith.subf %parallel_loop3A_136, %parallel_loop3A_131 : vector<16xf32>
          %parallel_loop3A_138 = arith.constant 258 : i32
          %parallel_loop3A_139 = vector.broadcast %parallel_loop3A_138 : i32 to vector<16xi32>
          %parallel_loop3A_140 = arith.muli %parallel_loop3A_126, %parallel_loop3A_139 : vector<16xi32>
          %parallel_loop3A_141 = arith.addi %parallel_loop3A_140, %parallel_loop3A_127 : vector<16xi32>
          %parallel_loop3A_142 = arith.constant 1 : i32
          %parallel_loop3A_143 = vector.broadcast %parallel_loop3A_142 : i32 to vector<16xi32>
          %parallel_loop3A_144 = arith.addi %parallel_loop3A_141, %parallel_loop3A_143 : vector<16xi32>
          %parallel_loop3A_145 = arith.constant 258 : i32
          %parallel_loop3A_146 = vector.broadcast %parallel_loop3A_145 : i32 to vector<16xi32>
          %parallel_loop3A_147 = arith.addi %parallel_loop3A_141, %parallel_loop3A_146 : vector<16xi32>
          %parallel_loop3A_148 = arith.constant 259 : i32
          %parallel_loop3A_149 = vector.broadcast %parallel_loop3A_148 : i32 to vector<16xi32>
          %parallel_loop3A_150 = arith.addi %parallel_loop3A_141, %parallel_loop3A_149 : vector<16xi32>
          %parallel_loop3A_151 = arith.mulf %parallel_loop3A_134, %parallel_loop3A_137 : vector<16xf32>
          %parallel_loop3A_152 = arith.mulf %parallel_loop3A_134, %parallel_loop3A_131 : vector<16xf32>
          %parallel_loop3A_153 = arith.mulf %parallel_loop3A_129, %parallel_loop3A_137 : vector<16xf32>
          %parallel_loop3A_154 = arith.mulf %parallel_loop3A_129, %parallel_loop3A_131 : vector<16xf32>
          %parallel_loop3A_155 = tpu.vector_load_idx %arg5[%parallel_loop3A_141] : memref<66688xf32, #tpu.memory_space<vmem>>[vector<16xi32>], vector<16xf32>,
          %parallel_loop3A_156 = arith.mulf %parallel_loop3A_151, %parallel_loop3A_155 : vector<16xf32>
          %parallel_loop3A_157 = tpu.vector_load_idx %arg5[%parallel_loop3A_144] : memref<66688xf32, #tpu.memory_space<vmem>>[vector<16xi32>], vector<16xf32>,
          %parallel_loop3A_158 = arith.mulf %parallel_loop3A_152, %parallel_loop3A_157 : vector<16xf32>
          %parallel_loop3A_159 = arith.addf %parallel_loop3A_156, %parallel_loop3A_158 : vector<16xf32>
          %parallel_loop3A_160 = tpu.vector_load_idx %arg5[%parallel_loop3A_147] : memref<66688xf32, #tpu.memory_space<vmem>>[vector<16xi32>], vector<16xf32>,
          %parallel_loop3A_161 = arith.mulf %parallel_loop3A_153, %parallel_loop3A_160 : vector<16xf32>
          %parallel_loop3A_162 = arith.addf %parallel_loop3A_159, %parallel_loop3A_161 : vector<16xf32>
          %parallel_loop3A_163 = tpu.vector_load_idx %arg5[%parallel_loop3A_150] : memref<66688xf32, #tpu.memory_space<vmem>>[vector<16xi32>], vector<16xf32>,
          %parallel_loop3A_164 = arith.mulf %parallel_loop3A_154, %parallel_loop3A_163 : vector<16xf32>
          %parallel_loop3A_165 = arith.addf %parallel_loop3A_162, %parallel_loop3A_164 : vector<16xf32>
          %parallel_loop3A_166 = arith.constant 0.000000e+00 : f32
          %parallel_loop3A_167 = vector.broadcast %parallel_loop3A_166 : f32 to vector<16xf32>
          %parallel_loop3A_168 = arith.maximumf %parallel_loop3A_110, %parallel_loop3A_167 : vector<16xf32>
          %parallel_loop3A_169 = arith.constant 2.565000e+02 : f32
          %parallel_loop3A_170 = vector.broadcast %parallel_loop3A_169 : f32 to vector<16xf32>
          %parallel_loop3A_171 = arith.minimumf %parallel_loop3A_168, %parallel_loop3A_170 : vector<16xf32>
          %parallel_loop3A_172 = arith.constant 0.000000e+00 : f32
          %parallel_loop3A_173 = vector.broadcast %parallel_loop3A_172 : f32 to vector<16xf32>
          %parallel_loop3A_174 = arith.maximumf %parallel_loop3A_111, %parallel_loop3A_173 : vector<16xf32>
          %parallel_loop3A_175 = arith.constant 2.565000e+02 : f32
          %parallel_loop3A_176 = vector.broadcast %parallel_loop3A_175 : f32 to vector<16xf32>
          %parallel_loop3A_177 = arith.minimumf %parallel_loop3A_174, %parallel_loop3A_176 : vector<16xf32>
          %parallel_loop3A_178 = arith.fptosi %parallel_loop3A_171 : vector<16xf32> to vector<16xi32>
          %parallel_loop3A_179 = arith.fptosi %parallel_loop3A_177 : vector<16xf32> to vector<16xi32>
          %parallel_loop3A_180 = arith.sitofp %parallel_loop3A_178 : vector<16xi32> to vector<16xf32>
          %parallel_loop3A_181 = arith.subf %parallel_loop3A_171, %parallel_loop3A_180 : vector<16xf32>
          %parallel_loop3A_182 = arith.sitofp %parallel_loop3A_179 : vector<16xi32> to vector<16xf32>
          %parallel_loop3A_183 = arith.subf %parallel_loop3A_177, %parallel_loop3A_182 : vector<16xf32>
          %parallel_loop3A_184 = arith.constant 1.000000e+00 : f32
          %parallel_loop3A_185 = vector.broadcast %parallel_loop3A_184 : f32 to vector<16xf32>
          %parallel_loop3A_186 = arith.subf %parallel_loop3A_185, %parallel_loop3A_181 : vector<16xf32>
          %parallel_loop3A_187 = arith.constant 1.000000e+00 : f32
          %parallel_loop3A_188 = vector.broadcast %parallel_loop3A_187 : f32 to vector<16xf32>
          %parallel_loop3A_189 = arith.subf %parallel_loop3A_188, %parallel_loop3A_183 : vector<16xf32>
          %parallel_loop3A_190 = arith.constant 258 : i32
          %parallel_loop3A_191 = vector.broadcast %parallel_loop3A_190 : i32 to vector<16xi32>
          %parallel_loop3A_192 = arith.muli %parallel_loop3A_178, %parallel_loop3A_191 : vector<16xi32>
          %parallel_loop3A_193 = arith.addi %parallel_loop3A_192, %parallel_loop3A_179 : vector<16xi32>
          %parallel_loop3A_194 = arith.constant 1 : i32
          %parallel_loop3A_195 = vector.broadcast %parallel_loop3A_194 : i32 to vector<16xi32>
          %parallel_loop3A_196 = arith.addi %parallel_loop3A_193, %parallel_loop3A_195 : vector<16xi32>
          %parallel_loop3A_197 = arith.constant 258 : i32
          %parallel_loop3A_198 = vector.broadcast %parallel_loop3A_197 : i32 to vector<16xi32>
          %parallel_loop3A_199 = arith.addi %parallel_loop3A_193, %parallel_loop3A_198 : vector<16xi32>
          %parallel_loop3A_200 = arith.constant 259 : i32
          %parallel_loop3A_201 = vector.broadcast %parallel_loop3A_200 : i32 to vector<16xi32>
          %parallel_loop3A_202 = arith.addi %parallel_loop3A_193, %parallel_loop3A_201 : vector<16xi32>
          %parallel_loop3A_203 = arith.mulf %parallel_loop3A_186, %parallel_loop3A_189 : vector<16xf32>
          %parallel_loop3A_204 = arith.mulf %parallel_loop3A_186, %parallel_loop3A_183 : vector<16xf32>
          %parallel_loop3A_205 = arith.mulf %parallel_loop3A_181, %parallel_loop3A_189 : vector<16xf32>
          %parallel_loop3A_206 = arith.mulf %parallel_loop3A_181, %parallel_loop3A_183 : vector<16xf32>
          %parallel_loop3A_207 = tpu.vector_load_idx %arg5[%parallel_loop3A_193] : memref<66688xf32, #tpu.memory_space<vmem>>[vector<16xi32>], vector<16xf32>,
          %parallel_loop3A_208 = arith.mulf %parallel_loop3A_203, %parallel_loop3A_207 : vector<16xf32>
          %parallel_loop3A_209 = tpu.vector_load_idx %arg5[%parallel_loop3A_196] : memref<66688xf32, #tpu.memory_space<vmem>>[vector<16xi32>], vector<16xf32>,
          %parallel_loop3A_210 = arith.mulf %parallel_loop3A_204, %parallel_loop3A_209 : vector<16xf32>
          %parallel_loop3A_211 = arith.addf %parallel_loop3A_208, %parallel_loop3A_210 : vector<16xf32>
          %parallel_loop3A_212 = tpu.vector_load_idx %arg5[%parallel_loop3A_199] : memref<66688xf32, #tpu.memory_space<vmem>>[vector<16xi32>], vector<16xf32>,
          %parallel_loop3A_213 = arith.mulf %parallel_loop3A_205, %parallel_loop3A_212 : vector<16xf32>
          %parallel_loop3A_214 = arith.addf %parallel_loop3A_211, %parallel_loop3A_213 : vector<16xf32>
          %parallel_loop3A_215 = tpu.vector_load_idx %arg5[%parallel_loop3A_202] : memref<66688xf32, #tpu.memory_space<vmem>>[vector<16xi32>], vector<16xf32>,
          %parallel_loop3A_216 = arith.mulf %parallel_loop3A_206, %parallel_loop3A_215 : vector<16xf32>
          %parallel_loop3A_217 = arith.addf %parallel_loop3A_214, %parallel_loop3A_216 : vector<16xf32>
          %parallel_loop3A_218 = arith.mulf %parallel_loop3A_165, %scan3A_107 : vector<16xf32>
          %parallel_loop3A_219 = arith.addf %scan3A_109, %parallel_loop3A_218 : vector<16xf32>
          %parallel_loop3A_220 = arith.mulf %parallel_loop3A_217, %parallel_loop3A_112 : vector<16xf32>
          %parallel_loop3A_221 = arith.addf %parallel_loop3A_219, %parallel_loop3A_220 : vector<16xf32>
          %parallel_loop3A_222 = arith.addf %parallel_loop3A_110, %parallel_loop3A_62 : vector<16xf32>
          %parallel_loop3A_223 = arith.addf %parallel_loop3A_111, %parallel_loop3A_66 : vector<16xf32>
          %parallel_loop3A_224 = arith.mulf %parallel_loop3A_112, %parallel_loop3A_113 : vector<16xf32>
          %parallel_loop3A_225 = arith.mulf %parallel_loop3A_113, %parallel_loop3A_78 : vector<16xf32>
          scf.yield %parallel_loop3A_222, %parallel_loop3A_223, %parallel_loop3A_224, %parallel_loop3A_225, %parallel_loop3A_221 : vector<16xf32>, vector<16xf32>, vector<16xf32>, vector<16xf32>, vector<16xf32>
        }
        %parallel_loop3A_94 = arith.constant 16 : i32
        %parallel_loop3A_95 = arith.mulf %parallel_loop3A_93#4, %parallel_loop3A_82 : vector<16xf32>
        %parallel_loop3A_96 = arith.subf %parallel_loop3A_95, %parallel_loop3A_86 : vector<16xf32>
        %parallel_loop3A_97 = arith.constant 512 : i32
        %parallel_loop3A_98 = arith.muli %add3A_28, %parallel_loop3A_97 : i32
        %parallel_loop3A_99 = arith.constant 16 : i32
        %parallel_loop3A_100 = arith.muli %parallel_loop3A_48, %parallel_loop3A_99 : i32
        %parallel_loop3A_101 = arith.addi %parallel_loop3A_98, %parallel_loop3A_100 : i32
        %parallel_loop3A_102 = arith.index_cast %parallel_loop3A_101 : i32 to index
        %parallel_loop3A_103 = tpu.vector_load %arg7[%parallel_loop3A_102] {strides = array<i32>} : memref<12800xf32, #tpu.memory_space<vmem>>, vector<16xf32>,
        tpu.vector_store %arg7[%parallel_loop3A_102], %parallel_loop3A_96 {strides = array<i32>} : memref<12800xf32, #tpu.memory_space<vmem>>, vector<16xf32>,
      } {sc.loop_unroll_factor = 2 : i64, sc.parallel_access}
    }
    %scan3A_6 = arith.constant 25 : i32
    %parallel_loop3A = arith.constant 0 : i32
    %parallel_loop3A_7 = arith.constant 66688 : i32
    %parallel_loop3A_8 = arith.constant 16 : i32
    scf.for %parallel_loop3A_24 = %parallel_loop3A to %parallel_loop3A_7 step %parallel_loop3A_8  : i32 {
      %parallel_loop3A_25 = arith.constant 0.000000e+00 : f32
      %parallel_loop3A_26 = vector.broadcast %parallel_loop3A_25 : f32 to vector<16xf32>
      %parallel_loop3A_27 = arith.index_cast %parallel_loop3A_24 : i32 to index
      %parallel_loop3A_28 = tpu.vector_load %arg5[%parallel_loop3A_27] {strides = array<i32>} : memref<66688xf32, #tpu.memory_space<vmem>>, vector<16xf32>,
      tpu.vector_store %arg5[%parallel_loop3A_27], %parallel_loop3A_26 {strides = array<i32>} : memref<66688xf32, #tpu.memory_space<vmem>>, vector<16xf32>,
    } {sc.loop_unroll_factor = 4 : i64, sc.parallel_access}
    %scan3A_9 = arith.constant 0 : i32
    %scan3A_10 = arith.constant 25 : i32
    %scan3A_11 = arith.addi %scan3A_9, %scan3A_10 : i32
    %scan3A_12 = arith.constant 1 : i32
    scf.for %scan3A_24 = %scan3A_9 to %scan3A_11 step %scan3A_12  : i32 {
      %mul3A_25 = arith.constant 1 : i32
      %mul3A_26 = arith.muli %scan3A_24, %mul3A_25 : i32
      %add3A_27 = arith.constant 0 : i32
      %add3A_28 = arith.addi %add3A_27, %mul3A_26 : i32
      %dma_start3A_29 = arith.constant 0 : i32
      %dma_start3A_30 = arith.constant 0 : i32
      %dma_start3A_31 = tpu.memref_slice %arg3[%add3A, %add3A_28, %dma_start3A_29, %dma_start3A_30] : memref<32x25x9x512xf32, #tpu.memory_space<hbm>> -> memref<1x1x9x512xf32, #tpu.memory_space<hbm>>
      %dma_start3A_32 = tpu.memref_squeeze %dma_start3A_31 : memref<1x1x9x512xf32, #tpu.memory_space<hbm>> -> memref<9x512xf32, #tpu.memory_space<hbm>>
      %dma_start3A_33 = arith.constant 0 : i32
      %dma_start3A_34 = arith.constant 0 : i32
      %dma_start3A_35 = tpu.memref_slice %arg3[%add3A, %add3A_28, %dma_start3A_33, %dma_start3A_34] : memref<32x25x9x512xf32, #tpu.memory_space<hbm>> -> memref<1x1x9x512xf32, #tpu.memory_space<hbm>>
      %dma_start3A_36 = tpu.memref_squeeze %dma_start3A_35 : memref<1x1x9x512xf32, #tpu.memory_space<hbm>> -> memref<9x512xf32, #tpu.memory_space<hbm>>
      tpu.enqueue_dma source(%dma_start3A_36 : memref<9x512xf32, #tpu.memory_space<hbm>>) target(%arg6 : memref<9x512xf32, #tpu.memory_space<vmem>>) target_semaphore(%arg8 : memref<!tpu.dma_semaphore, #tpu.memory_space<semaphore_mem>>)
      %dma_wait3A_37 = arith.constant 0 : i32
      %dma_wait3A_38 = arith.constant 0 : i32
      %dma_wait3A_39 = tpu.memref_slice %arg3[%add3A, %add3A_28, %dma_wait3A_37, %dma_wait3A_38] : memref<32x25x9x512xf32, #tpu.memory_space<hbm>> -> memref<1x1x9x512xf32, #tpu.memory_space<hbm>>
      %dma_wait3A_40 = tpu.memref_squeeze %dma_wait3A_39 : memref<1x1x9x512xf32, #tpu.memory_space<hbm>> -> memref<9x512xf32, #tpu.memory_space<hbm>>
      %dma_wait3A_41 = arith.constant 0 : i32
      %dma_wait3A_42 = arith.constant 0 : i32
      %dma_wait3A_43 = tpu.memref_slice %arg3[%add3A, %add3A_28, %dma_wait3A_41, %dma_wait3A_42] : memref<32x25x9x512xf32, #tpu.memory_space<hbm>> -> memref<1x1x9x512xf32, #tpu.memory_space<hbm>>
      %dma_wait3A_44 = tpu.memref_squeeze %dma_wait3A_43 : memref<1x1x9x512xf32, #tpu.memory_space<hbm>> -> memref<9x512xf32, #tpu.memory_space<hbm>>
      tpu.wait_dma2 semaphore(%arg8 : memref<!tpu.dma_semaphore, #tpu.memory_space<semaphore_mem>>) src(%dma_wait3A_44 : memref<9x512xf32, #tpu.memory_space<hbm>>) dst(%arg6 : memref<9x512xf32, #tpu.memory_space<vmem>>)
      %parallel_loop3A_45 = arith.constant 0 : i32
      %parallel_loop3A_46 = arith.constant 32 : i32
      %parallel_loop3A_47 = arith.constant 1 : i32
      scf.for %parallel_loop3A_48 = %parallel_loop3A_45 to %parallel_loop3A_46 step %parallel_loop3A_47  : i32 {
        %parallel_loop3A_49 = arith.constant 16 : i32
        %parallel_loop3A_50 = arith.muli %parallel_loop3A_48, %parallel_loop3A_49 : i32
        %parallel_loop3A_51 = arith.constant 0 : i32
        %parallel_loop3A_52 = arith.index_cast %parallel_loop3A_51 : i32 to index
        %parallel_loop3A_53 = arith.index_cast %parallel_loop3A_50 : i32 to index
        %parallel_loop3A_54 = tpu.vector_load %arg6[%parallel_loop3A_52, %parallel_loop3A_53] {strides = array<i32>} : memref<9x512xf32, #tpu.memory_space<vmem>>, vector<16xf32>,
        %parallel_loop3A_55 = arith.constant 1 : i32
        %parallel_loop3A_56 = arith.index_cast %parallel_loop3A_55 : i32 to index
        %parallel_loop3A_57 = arith.index_cast %parallel_loop3A_50 : i32 to index
        %parallel_loop3A_58 = tpu.vector_load %arg6[%parallel_loop3A_56, %parallel_loop3A_57] {strides = array<i32>} : memref<9x512xf32, #tpu.memory_space<vmem>>, vector<16xf32>,
        %parallel_loop3A_59 = arith.constant 2 : i32
        %parallel_loop3A_60 = arith.index_cast %parallel_loop3A_59 : i32 to index
        %parallel_loop3A_61 = arith.index_cast %parallel_loop3A_50 : i32 to index
        %parallel_loop3A_62 = tpu.vector_load %arg6[%parallel_loop3A_60, %parallel_loop3A_61] {strides = array<i32>} : memref<9x512xf32, #tpu.memory_space<vmem>>, vector<16xf32>,
        %parallel_loop3A_63 = arith.constant 3 : i32
        %parallel_loop3A_64 = arith.index_cast %parallel_loop3A_63 : i32 to index
        %parallel_loop3A_65 = arith.index_cast %parallel_loop3A_50 : i32 to index
        %parallel_loop3A_66 = tpu.vector_load %arg6[%parallel_loop3A_64, %parallel_loop3A_65] {strides = array<i32>} : memref<9x512xf32, #tpu.memory_space<vmem>>, vector<16xf32>,
        %parallel_loop3A_67 = arith.constant 4 : i32
        %parallel_loop3A_68 = arith.index_cast %parallel_loop3A_67 : i32 to index
        %parallel_loop3A_69 = arith.index_cast %parallel_loop3A_50 : i32 to index
        %parallel_loop3A_70 = tpu.vector_load %arg6[%parallel_loop3A_68, %parallel_loop3A_69] {strides = array<i32>} : memref<9x512xf32, #tpu.memory_space<vmem>>, vector<16xf32>,
        %parallel_loop3A_71 = arith.constant 5 : i32
        %parallel_loop3A_72 = arith.index_cast %parallel_loop3A_71 : i32 to index
        %parallel_loop3A_73 = arith.index_cast %parallel_loop3A_50 : i32 to index
        %parallel_loop3A_74 = tpu.vector_load %arg6[%parallel_loop3A_72, %parallel_loop3A_73] {strides = array<i32>} : memref<9x512xf32, #tpu.memory_space<vmem>>, vector<16xf32>,
        %parallel_loop3A_75 = arith.constant 6 : i32
        %parallel_loop3A_76 = arith.index_cast %parallel_loop3A_75 : i32 to index
        %parallel_loop3A_77 = arith.index_cast %parallel_loop3A_50 : i32 to index
        %parallel_loop3A_78 = tpu.vector_load %arg6[%parallel_loop3A_76, %parallel_loop3A_77] {strides = array<i32>} : memref<9x512xf32, #tpu.memory_space<vmem>>, vector<16xf32>,
        %parallel_loop3A_79 = arith.constant 512 : i32
        %parallel_loop3A_80 = arith.muli %add3A_28, %parallel_loop3A_79 : i32
        %parallel_loop3A_81 = arith.constant 16 : i32
        %parallel_loop3A_82 = arith.muli %parallel_loop3A_48, %parallel_loop3A_81 : i32
        %parallel_loop3A_83 = arith.addi %parallel_loop3A_80, %parallel_loop3A_82 : i32
        %parallel_loop3A_84 = arith.index_cast %parallel_loop3A_83 : i32 to index
        %parallel_loop3A_85 = tpu.vector_load %arg7[%parallel_loop3A_84] {strides = array<i32>} : memref<12800xf32, #tpu.memory_space<vmem>>, vector<16xf32>,
        %parallel_loop3A_86 = arith.constant 0 : i32
        %parallel_loop3A_87 = arith.constant 16 : i32
        %parallel_loop3A_88 = arith.addi %parallel_loop3A_86, %parallel_loop3A_87 : i32
        %parallel_loop3A_89 = arith.constant 1 : i32
        %parallel_loop3A_90:4 = scf.for %scan3A_92 = %parallel_loop3A_86 to %parallel_loop3A_88 step %parallel_loop3A_89 iter_args(%scan3A_93 = %parallel_loop3A_54, %scan3A_94 = %parallel_loop3A_58, %scan3A_95 = %parallel_loop3A_70, %scan3A_96 = %parallel_loop3A_74) -> (vector<16xf32>, vector<16xf32>, vector<16xf32>, vector<16xf32>)  : i32 {
          %parallel_loop3A_97 = arith.addf %scan3A_93, %parallel_loop3A_62 : vector<16xf32>
          %parallel_loop3A_98 = arith.addf %scan3A_94, %parallel_loop3A_66 : vector<16xf32>
          %parallel_loop3A_99 = arith.mulf %scan3A_95, %scan3A_96 : vector<16xf32>
          %parallel_loop3A_100 = arith.mulf %scan3A_96, %parallel_loop3A_78 : vector<16xf32>
          %parallel_loop3A_101 = arith.mulf %parallel_loop3A_85, %scan3A_95 : vector<16xf32>
          %parallel_loop3A_102 = arith.mulf %parallel_loop3A_85, %parallel_loop3A_99 : vector<16xf32>
          %parallel_loop3A_103 = arith.constant 0.000000e+00 : f32
          %parallel_loop3A_104 = vector.broadcast %parallel_loop3A_103 : f32 to vector<16xf32>
          %parallel_loop3A_105 = arith.maximumf %scan3A_93, %parallel_loop3A_104 : vector<16xf32>
          %parallel_loop3A_106 = arith.constant 2.565000e+02 : f32
          %parallel_loop3A_107 = vector.broadcast %parallel_loop3A_106 : f32 to vector<16xf32>
          %parallel_loop3A_108 = arith.minimumf %parallel_loop3A_105, %parallel_loop3A_107 : vector<16xf32>
          %parallel_loop3A_109 = arith.constant 0.000000e+00 : f32
          %parallel_loop3A_110 = vector.broadcast %parallel_loop3A_109 : f32 to vector<16xf32>
          %parallel_loop3A_111 = arith.maximumf %scan3A_94, %parallel_loop3A_110 : vector<16xf32>
          %parallel_loop3A_112 = arith.constant 2.565000e+02 : f32
          %parallel_loop3A_113 = vector.broadcast %parallel_loop3A_112 : f32 to vector<16xf32>
          %parallel_loop3A_114 = arith.minimumf %parallel_loop3A_111, %parallel_loop3A_113 : vector<16xf32>
          %parallel_loop3A_115 = arith.fptosi %parallel_loop3A_108 : vector<16xf32> to vector<16xi32>
          %parallel_loop3A_116 = arith.fptosi %parallel_loop3A_114 : vector<16xf32> to vector<16xi32>
          %parallel_loop3A_117 = arith.sitofp %parallel_loop3A_115 : vector<16xi32> to vector<16xf32>
          %parallel_loop3A_118 = arith.subf %parallel_loop3A_108, %parallel_loop3A_117 : vector<16xf32>
          %parallel_loop3A_119 = arith.sitofp %parallel_loop3A_116 : vector<16xi32> to vector<16xf32>
          %parallel_loop3A_120 = arith.subf %parallel_loop3A_114, %parallel_loop3A_119 : vector<16xf32>
          %parallel_loop3A_121 = arith.constant 1.000000e+00 : f32
          %parallel_loop3A_122 = vector.broadcast %parallel_loop3A_121 : f32 to vector<16xf32>
          %parallel_loop3A_123 = arith.subf %parallel_loop3A_122, %parallel_loop3A_118 : vector<16xf32>
          %parallel_loop3A_124 = arith.constant 1.000000e+00 : f32
          %parallel_loop3A_125 = vector.broadcast %parallel_loop3A_124 : f32 to vector<16xf32>
          %parallel_loop3A_126 = arith.subf %parallel_loop3A_125, %parallel_loop3A_120 : vector<16xf32>
          %parallel_loop3A_127 = arith.constant 258 : i32
          %parallel_loop3A_128 = vector.broadcast %parallel_loop3A_127 : i32 to vector<16xi32>
          %parallel_loop3A_129 = arith.muli %parallel_loop3A_115, %parallel_loop3A_128 : vector<16xi32>
          %parallel_loop3A_130 = arith.addi %parallel_loop3A_129, %parallel_loop3A_116 : vector<16xi32>
          %parallel_loop3A_131 = arith.constant 1 : i32
          %parallel_loop3A_132 = vector.broadcast %parallel_loop3A_131 : i32 to vector<16xi32>
          %parallel_loop3A_133 = arith.addi %parallel_loop3A_130, %parallel_loop3A_132 : vector<16xi32>
          %parallel_loop3A_134 = arith.constant 258 : i32
          %parallel_loop3A_135 = vector.broadcast %parallel_loop3A_134 : i32 to vector<16xi32>
          %parallel_loop3A_136 = arith.addi %parallel_loop3A_130, %parallel_loop3A_135 : vector<16xi32>
          %parallel_loop3A_137 = arith.constant 259 : i32
          %parallel_loop3A_138 = vector.broadcast %parallel_loop3A_137 : i32 to vector<16xi32>
          %parallel_loop3A_139 = arith.addi %parallel_loop3A_130, %parallel_loop3A_138 : vector<16xi32>
          %parallel_loop3A_140 = arith.mulf %parallel_loop3A_123, %parallel_loop3A_126 : vector<16xf32>
          %parallel_loop3A_141 = arith.mulf %parallel_loop3A_123, %parallel_loop3A_120 : vector<16xf32>
          %parallel_loop3A_142 = arith.mulf %parallel_loop3A_118, %parallel_loop3A_126 : vector<16xf32>
          %parallel_loop3A_143 = arith.mulf %parallel_loop3A_118, %parallel_loop3A_120 : vector<16xf32>
          %parallel_loop3A_144 = arith.mulf %parallel_loop3A_140, %parallel_loop3A_101 : vector<16xf32>
          tpu.vector_store_idx %arg5[%parallel_loop3A_130], %parallel_loop3A_144 masked %ge3A_2 {add = true} : memref<66688xf32, #tpu.memory_space<vmem>>[vector<16xi32>], vector<16xf32>, vector<16xi1>
          %parallel_loop3A_145 = arith.mulf %parallel_loop3A_141, %parallel_loop3A_101 : vector<16xf32>
          tpu.vector_store_idx %arg5[%parallel_loop3A_133], %parallel_loop3A_145 masked %ge3A_2 {add = true} : memref<66688xf32, #tpu.memory_space<vmem>>[vector<16xi32>], vector<16xf32>, vector<16xi1>
          %parallel_loop3A_146 = arith.mulf %parallel_loop3A_142, %parallel_loop3A_101 : vector<16xf32>
          tpu.vector_store_idx %arg5[%parallel_loop3A_136], %parallel_loop3A_146 masked %ge3A_2 {add = true} : memref<66688xf32, #tpu.memory_space<vmem>>[vector<16xi32>], vector<16xf32>, vector<16xi1>
          %parallel_loop3A_147 = arith.mulf %parallel_loop3A_143, %parallel_loop3A_101 : vector<16xf32>
          tpu.vector_store_idx %arg5[%parallel_loop3A_139], %parallel_loop3A_147 masked %ge3A_2 {add = true} : memref<66688xf32, #tpu.memory_space<vmem>>[vector<16xi32>], vector<16xf32>, vector<16xi1>
          %parallel_loop3A_148 = arith.constant 0.000000e+00 : f32
          %parallel_loop3A_149 = vector.broadcast %parallel_loop3A_148 : f32 to vector<16xf32>
          %parallel_loop3A_150 = arith.maximumf %parallel_loop3A_97, %parallel_loop3A_149 : vector<16xf32>
          %parallel_loop3A_151 = arith.constant 2.565000e+02 : f32
          %parallel_loop3A_152 = vector.broadcast %parallel_loop3A_151 : f32 to vector<16xf32>
          %parallel_loop3A_153 = arith.minimumf %parallel_loop3A_150, %parallel_loop3A_152 : vector<16xf32>
          %parallel_loop3A_154 = arith.constant 0.000000e+00 : f32
          %parallel_loop3A_155 = vector.broadcast %parallel_loop3A_154 : f32 to vector<16xf32>
          %parallel_loop3A_156 = arith.maximumf %parallel_loop3A_98, %parallel_loop3A_155 : vector<16xf32>
          %parallel_loop3A_157 = arith.constant 2.565000e+02 : f32
          %parallel_loop3A_158 = vector.broadcast %parallel_loop3A_157 : f32 to vector<16xf32>
          %parallel_loop3A_159 = arith.minimumf %parallel_loop3A_156, %parallel_loop3A_158 : vector<16xf32>
          %parallel_loop3A_160 = arith.fptosi %parallel_loop3A_153 : vector<16xf32> to vector<16xi32>
          %parallel_loop3A_161 = arith.fptosi %parallel_loop3A_159 : vector<16xf32> to vector<16xi32>
          %parallel_loop3A_162 = arith.sitofp %parallel_loop3A_160 : vector<16xi32> to vector<16xf32>
          %parallel_loop3A_163 = arith.subf %parallel_loop3A_153, %parallel_loop3A_162 : vector<16xf32>
          %parallel_loop3A_164 = arith.sitofp %parallel_loop3A_161 : vector<16xi32> to vector<16xf32>
          %parallel_loop3A_165 = arith.subf %parallel_loop3A_159, %parallel_loop3A_164 : vector<16xf32>
          %parallel_loop3A_166 = arith.constant 1.000000e+00 : f32
          %parallel_loop3A_167 = vector.broadcast %parallel_loop3A_166 : f32 to vector<16xf32>
          %parallel_loop3A_168 = arith.subf %parallel_loop3A_167, %parallel_loop3A_163 : vector<16xf32>
          %parallel_loop3A_169 = arith.constant 1.000000e+00 : f32
          %parallel_loop3A_170 = vector.broadcast %parallel_loop3A_169 : f32 to vector<16xf32>
          %parallel_loop3A_171 = arith.subf %parallel_loop3A_170, %parallel_loop3A_165 : vector<16xf32>
          %parallel_loop3A_172 = arith.constant 258 : i32
          %parallel_loop3A_173 = vector.broadcast %parallel_loop3A_172 : i32 to vector<16xi32>
          %parallel_loop3A_174 = arith.muli %parallel_loop3A_160, %parallel_loop3A_173 : vector<16xi32>
          %parallel_loop3A_175 = arith.addi %parallel_loop3A_174, %parallel_loop3A_161 : vector<16xi32>
          %parallel_loop3A_176 = arith.constant 1 : i32
          %parallel_loop3A_177 = vector.broadcast %parallel_loop3A_176 : i32 to vector<16xi32>
          %parallel_loop3A_178 = arith.addi %parallel_loop3A_175, %parallel_loop3A_177 : vector<16xi32>
          %parallel_loop3A_179 = arith.constant 258 : i32
          %parallel_loop3A_180 = vector.broadcast %parallel_loop3A_179 : i32 to vector<16xi32>
          %parallel_loop3A_181 = arith.addi %parallel_loop3A_175, %parallel_loop3A_180 : vector<16xi32>
          %parallel_loop3A_182 = arith.constant 259 : i32
          %parallel_loop3A_183 = vector.broadcast %parallel_loop3A_182 : i32 to vector<16xi32>
          %parallel_loop3A_184 = arith.addi %parallel_loop3A_175, %parallel_loop3A_183 : vector<16xi32>
          %parallel_loop3A_185 = arith.mulf %parallel_loop3A_168, %parallel_loop3A_171 : vector<16xf32>
          %parallel_loop3A_186 = arith.mulf %parallel_loop3A_168, %parallel_loop3A_165 : vector<16xf32>
          %parallel_loop3A_187 = arith.mulf %parallel_loop3A_163, %parallel_loop3A_171 : vector<16xf32>
          %parallel_loop3A_188 = arith.mulf %parallel_loop3A_163, %parallel_loop3A_165 : vector<16xf32>
          %parallel_loop3A_189 = arith.mulf %parallel_loop3A_185, %parallel_loop3A_102 : vector<16xf32>
          tpu.vector_store_idx %arg5[%parallel_loop3A_175], %parallel_loop3A_189 masked %ge3A_2 {add = true} : memref<66688xf32, #tpu.memory_space<vmem>>[vector<16xi32>], vector<16xf32>, vector<16xi1>
          %parallel_loop3A_190 = arith.mulf %parallel_loop3A_186, %parallel_loop3A_102 : vector<16xf32>
          tpu.vector_store_idx %arg5[%parallel_loop3A_178], %parallel_loop3A_190 masked %ge3A_2 {add = true} : memref<66688xf32, #tpu.memory_space<vmem>>[vector<16xi32>], vector<16xf32>, vector<16xi1>
          %parallel_loop3A_191 = arith.mulf %parallel_loop3A_187, %parallel_loop3A_102 : vector<16xf32>
          tpu.vector_store_idx %arg5[%parallel_loop3A_181], %parallel_loop3A_191 masked %ge3A_2 {add = true} : memref<66688xf32, #tpu.memory_space<vmem>>[vector<16xi32>], vector<16xf32>, vector<16xi1>
          %parallel_loop3A_192 = arith.mulf %parallel_loop3A_188, %parallel_loop3A_102 : vector<16xf32>
          tpu.vector_store_idx %arg5[%parallel_loop3A_184], %parallel_loop3A_192 masked %ge3A_2 {add = true} : memref<66688xf32, #tpu.memory_space<vmem>>[vector<16xi32>], vector<16xf32>, vector<16xi1>
          %parallel_loop3A_193 = arith.addf %parallel_loop3A_97, %parallel_loop3A_62 : vector<16xf32>
          %parallel_loop3A_194 = arith.addf %parallel_loop3A_98, %parallel_loop3A_66 : vector<16xf32>
          %parallel_loop3A_195 = arith.mulf %parallel_loop3A_99, %parallel_loop3A_100 : vector<16xf32>
          %parallel_loop3A_196 = arith.mulf %parallel_loop3A_100, %parallel_loop3A_78 : vector<16xf32>
          scf.yield %parallel_loop3A_193, %parallel_loop3A_194, %parallel_loop3A_195, %parallel_loop3A_196 : vector<16xf32>, vector<16xf32>, vector<16xf32>, vector<16xf32>
        }
        %parallel_loop3A_91 = arith.constant 16 : i32
      } {sc.loop_unroll_factor = 2 : i64, sc.parallel_access}
    }
    %scan3A_13 = arith.constant 25 : i32
    %dma_start3A = arith.constant 0 : i32
    %dma_start3A_14 = tpu.memref_slice %arg4[%add3A, %dma_start3A] : memref<32x66688xf32, #tpu.memory_space<hbm>> -> memref<1x66688xf32, #tpu.memory_space<hbm>>
    %dma_start3A_15 = tpu.memref_squeeze %dma_start3A_14 : memref<1x66688xf32, #tpu.memory_space<hbm>> -> memref<66688xf32, #tpu.memory_space<hbm>>
    %dma_start3A_16 = arith.constant 0 : i32
    %dma_start3A_17 = tpu.memref_slice %arg4[%add3A, %dma_start3A_16] : memref<32x66688xf32, #tpu.memory_space<hbm>> -> memref<1x66688xf32, #tpu.memory_space<hbm>>
    %dma_start3A_18 = tpu.memref_squeeze %dma_start3A_17 : memref<1x66688xf32, #tpu.memory_space<hbm>> -> memref<66688xf32, #tpu.memory_space<hbm>>
    tpu.enqueue_dma source(%arg5 : memref<66688xf32, #tpu.memory_space<vmem>>) target(%dma_start3A_18 : memref<66688xf32, #tpu.memory_space<hbm>>) target_semaphore(%arg8 : memref<!tpu.dma_semaphore, #tpu.memory_space<semaphore_mem>>)
    %dma_wait3A = arith.constant 0 : i32
    %dma_wait3A_19 = tpu.memref_slice %arg4[%add3A, %dma_wait3A] : memref<32x66688xf32, #tpu.memory_space<hbm>> -> memref<1x66688xf32, #tpu.memory_space<hbm>>
    %dma_wait3A_20 = tpu.memref_squeeze %dma_wait3A_19 : memref<1x66688xf32, #tpu.memory_space<hbm>> -> memref<66688xf32, #tpu.memory_space<hbm>>
    %dma_wait3A_21 = arith.constant 0 : i32
    %dma_wait3A_22 = tpu.memref_slice %arg4[%add3A, %dma_wait3A_21] : memref<32x66688xf32, #tpu.memory_space<hbm>> -> memref<1x66688xf32, #tpu.memory_space<hbm>>
    %dma_wait3A_23 = tpu.memref_squeeze %dma_wait3A_22 : memref<1x66688xf32, #tpu.memory_space<hbm>> -> memref<66688xf32, #tpu.memory_space<hbm>>
    tpu.wait_dma2 semaphore(%arg8 : memref<!tpu.dma_semaphore, #tpu.memory_space<semaphore_mem>>) src(%arg5 : memref<66688xf32, #tpu.memory_space<vmem>>) dst(%dma_wait3A_23 : memref<66688xf32, #tpu.memory_space<hbm>>)
    return
  }
}

</mosaic_0001>

<sc_bundles>
// kernel: _sc_call.3.cloned.1.call-start
scs
__scs_entry_jumppad:
0x0: {  	(pc) =	sbr.rel $0x88, $3  }
0x1: {  	(tag) =	ssettag $0x0;
	lr =	simm.s32 $0x1  }
0x2: {  	[smem:$0x3F9F] =	sst lr;
	_ =	strace $0xD0000000  }
0x3: {  	_ = 	snop  }
0x4: {  	_ = 	snop  }
0x5: {  	_ = 	snop  }
0x6: {  	_ = 	snop  }
0x7: {  	_ = 	snop  }
__scs_overlays_trampoline_lowered:
0x8: {  	[smem:$0x3FAE] =	sst s0  }
0x9: {  	[smem:$0x3FAF] =	sst s1  }
0xa: {  	[smem:$0x3FB0] =	sst s2  }
0xb: {  	[smem:$0x3FB1] =	sst s3  }
0xc: {  	[smem:$0x3FB2] =	sst s4  }
0xd: {  	[smem:$0x3FB3] =	sst s5  }
0xe: {  	[smem:$0x3FB4] =	sst s6  }
0xf: {  	[smem:$0x3FB5] =	sst s7  }
0x10: {  	[smem:$0x3FB6] =	sst s8  }
0x11: {  	[smem:$0x3FB7] =	sst s9;
	s0 =	simm.s32 @!p0 $0x0  }
0x12: {  	s1 =	sld [smem:$0x3F9D];
	s0 =	simm.s32 @p0 $0x1  }
0x13: {  	[smem:$0x3FB8] =	sst s0;
	s0 =	simm.s32 @!p1 $0x0  }
0x14: {  	s2 =	sld [smem:$0x3F9C];
	s0 =	simm.s32 @p1 $0x1  }
0x15: {  	[smem:$0x3FB9] =	sst s0;
	s0 =	simm.s32 @!p2 $0x0  }
0x16: {  	s3 =	sld [smem:$0x3FDB];
	s0 =	simm.s32 @p2 $0x1  }
0x17: {  	s4 =	simm.s32 $0x1BF5;
	[smem:$0x3FBB] =	sst s0  }
0x18: {  	s0 =	sld [smem:$0x3F9E];
	_ =	swait.ge [sflag:s4], $0x0  }
0x19: {  	s7 =	sld [smem:$0x3F9F]  }
0x1a: {  	s8 =	sadd.s32 $0xFFFFE003, lr  }
0x1b: {  	s9 =	sadd.s32 $0xFFFFFEF7, lr;
	s5 =	simm.s32 $0xFFFFFFFF;
	p2 =	slt.u32 s8, $0xFFFFF086  }
0x1c: {  	p1 =	slt.u32 s9, $0xF7A;
	s5 =	simm.s32 @!p2 $0x0  }
0x1d: {  	s5 =	simm.s32 @p1 $0x1;
	p0 =	seq.s32 s7, s2  }
0x1e: {  	s7 =	smul.u32 @!p0 $0xF7A, s2;
	p2 =	seq.s32 @!p0 s5, $0x0  }
0x1f: {  	s9 =	smul.u32 $0xF7A, s1;
	s8 =	simm.s32 @!p0 $0x1BF5;
	p2 =	por !p2, p0  }
0x20: {  	[sflag:s8] =	ssyncset.s32 @!p0 $0xFFFFF086;
	s6 =	sadd.s32 @!p0 s3, s7;
	s7 =	simm.s32 @!p0 $0x108  }
0x21: {  	s3 =	sadd.s32 s3, s9;
	s6 =	sadd.s32 @!p0 $0x88, s6;
	s7 =	simm.s32 @p2 $0x1082  }
0x22: {  	[simem:s7], [sflag:s8] =	dma.local @!p0 [hbm:s6], $0xF7A  }
0x23: {  	s9 =	sor.u32 $0xD0000000, s2;
	s6 =	simm.s32 $0x108;
	_ =	swait.ge @!p0 [sflag:s8], $0x0  }
0x24: {  	s3 =	sadd.s32 $0x88, s3;
	s6 =	simm.s32 @!p1 $0x1082;
	[sflag:s4] =	ssyncset.s32 $0xFFFFF086  }
0x25: {  	[simem:s6], [sflag:s4] =	dma.local [hbm:s3], $0xF7A  }
0x26: {  	[smem:$0x3F9F] =	sst s1;
	(tag) =	ssettag s2;
	_ =	strace s9  }
0x27: {  	s1 =	sld [smem:$0x3FAF]  }
0x28: {  	s2 =	sld [smem:$0x3FB0]  }
0x29: {  	s4 =	sld [smem:$0x3FB2]  }
0x2a: {  	p0 =	seq.s32 s5, $0x0;
	s5 =	sld [smem:$0x3FB3]  }
0x2b: {  	s6 =	sld [smem:$0x3FB4]  }
0x2c: {  	s7 =	sld [smem:$0x3FB5]  }
0x2d: {  	s3 =	simm.s32 $0x108;
	s8 =	sld [smem:$0x3FB6]  }
0x2e: {  	s3 =	simm.s32 @!p0 $0x1082;
	s9 =	sld [smem:$0x3FB7]  }
0x2f: {  	lr =	sadd.s32 s0, s3;
	s0 =	sld [smem:$0x3FAE]  }
0x30: {  	s3 =	sld [smem:$0x3FB1]  }
0x31: {  	[smem:$0x3FBA] =	sst s10  }
0x32: {  	s10 =	sld [smem:$0x3FB8];
	_ =	sdelay $0x3  }
0x33: {  	p0 =	seq.s32 s10, $0x1;
	s10 =	sld [smem:$0x3FBA];
	_ =	sdelay $0x3  }
0x34: {  	[smem:$0x3FBA] =	sst s10  }
0x35: {  	s10 =	sld [smem:$0x3FB9];
	_ =	sdelay $0x3  }
0x36: {  	p1 =	seq.s32 s10, $0x1;
	s10 =	sld [smem:$0x3FBA];
	_ =	sdelay $0x3  }
0x37: {  	[smem:$0x3FBA] =	sst s10  }
0x38: {  	s10 =	sld [smem:$0x3FBB]  }
0x39: {  	_ = 	snop;
	(pc) =	sbr.ind lr, $3  }
0x3a: {  	_ = 	snop  }
0x3b: {  	_ = 	snop  }
0x3c: {  	p2 =	seq.s32 s10, $0x1;
	s10 =	sld [smem:$0x3FBA]  }
0x3d: {  	_ =	shalt  }
0x3e: {  	_ =	shalt  }
0x3f: {  	_ =	shalt  }
0x40: {  	_ =	shalt  }
0x41: {  	_ =	shalt  }
0x42: {  	_ =	shalt  }
0x43: {  	_ =	shalt  }
0x44: {  	_ =	shalt  }
0x45: {  	_ =	shalt  }
0x46: {  	_ =	shalt  }
0x47: {  	_ =	shalt  }
0x48: {  	_ =	shalt  }
0x49: {  	_ =	shalt  }
0x4a: {  	_ =	shalt  }
0x4b: {  	_ =	shalt  }
0x4c: {  	_ =	shalt  }
0x4d: {  	_ =	shalt  }
0x4e: {  	_ =	shalt  }
0x4f: {  	_ =	shalt  }
0x50: {  	_ =	shalt  }
0x51: {  	_ =	shalt  }
0x52: {  	_ =	shalt  }
0x53: {  	_ =	shalt  }
0x54: {  	_ =	shalt  }
0x55: {  	_ =	shalt  }
0x56: {  	_ =	shalt  }
0x57: {  	_ =	shalt  }
0x58: {  	_ =	shalt  }
0x59: {  	_ =	shalt  }
0x5a: {  	_ =	shalt  }
0x5b: {  	_ =	shalt  }
0x5c: {  	_ =	shalt  }
0x5d: {  	_ =	shalt  }
0x5e: {  	_ =	shalt  }
0x5f: {  	_ =	shalt  }
0x60: {  	_ =	shalt  }
0x61: {  	_ =	shalt  }
0x62: {  	_ =	shalt  }
0x63: {  	_ =	shalt  }
0x64: {  	_ =	shalt  }
0x65: {  	_ =	shalt  }
0x66: {  	_ =	shalt  }
0x67: {  	_ =	shalt  }
0x68: {  	_ =	shalt  }
0x69: {  	_ =	shalt  }
0x6a: {  	_ =	shalt  }
0x6b: {  	_ =	shalt  }
0x6c: {  	_ =	shalt  }
0x6d: {  	_ =	shalt  }
0x6e: {  	_ =	shalt  }
0x6f: {  	_ =	shalt  }
0x70: {  	_ =	shalt  }
0x71: {  	_ =	shalt  }
0x72: {  	_ =	shalt  }
0x73: {  	_ =	shalt  }
0x74: {  	_ =	shalt  }
0x75: {  	_ =	shalt  }
0x76: {  	_ =	shalt  }
0x77: {  	_ =	shalt  }
0x78: {  	_ =	shalt  }
0x79: {  	_ =	shalt  }
0x7a: {  	_ =	shalt  }
0x7b: {  	_ =	shalt  }
0x7c: {  	_ =	shalt  }
0x7d: {  	_ =	shalt  }
0x7e: {  	_ =	shalt  }
0x7f: {  	_ =	shalt  }
0x80: {  	_ =	shalt  }
0x81: {  	_ =	shalt  }
0x82: {  	_ =	shalt  }
0x83: {  	_ =	shalt  }
0x84: {  	_ =	shalt  }
0x85: {  	_ =	shalt  }
0x86: {  	_ =	shalt  }
0x87: {  	_ =	shalt  }
.Lfunc_end0:
.L_simem_size_0:
called_computation_lowered:
.L_overlay_start_0:
0x88: {  	s2 =	sld [smem:$0x3FD9]  }
0x89: {  	s3 =	sld [smem:$0x3FFE];
	_ =	sdelay $0x1  }
0x8a: {  	s1 =	srdreg.scid  }
0x8b: {  	s0 =	sand.u32 $0x1, s1  }
0x8c: {  	s17 =	sshll.u32 s0, $0xA;
	s2 =	sadd.s32 s3, s2  }
0x8d: {  	s2 =	sadd.s32 s2, s17  }
0x8e: {  	[smem:$0x3FC6] =	sst s2  }
0x8f: {  	_ = 	snop  }
0x90: {  	s2 =	sld [smem:$0x3FC9]  }
0x91: {  	s18 =	sld [smem:$0x3FD0];
	(tm) =	ssettm $0x1  }
0x92: {  	s4 =	sld [smem:$0x3FFB];
	_ =	sdelay $0x3  }
0x93: {  	_ =	strace s4  }
0x94: {  	s4 =	sld [smem:$0x3FFC];
	_ =	sdelay $0x3  }
0x95: {  	_ =	strace s4  }
0x96: {  	s4 =	sld [smem:$0x3FFD];
	_ =	sdelay $0x3  }
0x97: {  	_ =	strace s4  }
0x98: {  	_ =	strace $0x8FFFFFFF  }
0x99: {  	s19 =	sld [smem:$0x3FDB];
	_ =	sdelay $0x1  }
0x9a: {  	s5 =	simm.s32 $_scs_section_size  }
0x9b: {  	s6 =	simm.s32 $_size__tile_overlayer_lowered;
	s7 =	simm.s32 $_tile_overlayer_lowered  }
0x9c: {  	s22 =	simm.s32 $0x1BFF;
	s21 =	sshll.u32 s7, $0x1;
	s4 =	sadd.s32 s5, s19  }
0x9d: {  	s8 =	simm.s32 $0x0;
	s20 =	sshll.u32 s6, $0x1;
	s6 =	sadd.s32 s21, s4  }
0x9e: {  	[timem:s8], [sflag:s22] =	dma.local [hbm:s6], s20  }
0x9f: {  	_ =	swait.ge [sflag:s22], s20  }
0xa0: {  	s5 =	ssub.s32 $0x0, s20;
	[sflag:s22] =	ssyncset.done $0x0  }
0xa1: {  	[sflag:s22] =	ssyncadd.s32 s5;
	_ =	sdelay $0x1  }
0xa2: {  	s23 =	simm.s32 $0x1B8B  }
0xa3: {  	_ =	swait.ge [sflag:s23], $0x1  }
0xa4: {  	[sflag:s23] =	ssyncset.done $0x0  }
0xa5: {  	s25 =	simm.s32 $0x1B8E;
	s24 =	sld [smem:$0x3FFE];
	[sflag:s23] =	ssyncadd.s32 $0xFFFFFFFF  }
0xa6: {  	s26 =	simm.s32 $execute0_lowered;
	[smem:$0x3FD2] =	sst s25  }
0xa7: {  	s6 =	sshll.u32 s26, $0x1;
	_ =	strace $0x80000046;
	[dreg:$0x1] =	wrdreg $0xFFFFFFFF  }
0xa8: {  	s28 =	simm.s32 $_size_execute0_lowered;
	s4 =	sadd.s32 s4, s6;
	[dreg:$0x0] =	wrdreg $0x0  }
0xa9: {  	s6 =	sshll.u32 s28, $0x1;
	[dreg:$0x2] =	wrdreg s4  }
0xaa: {  	[dreg:$0x3] =	wrdreg s6  }
0xab: {  	[dreg:$0x4] =	wrdreg $0xC0  }
0xac: {  	_ =	task [dreg:s8], $0x5FFFF  }
0xad: {  	[dreg:$0x1] =	wrdreg $0xFFFFFFFF  }
0xae: {  	[dreg:$0x0] =	wrdreg $0x60  }
0xaf: {  	[dreg:$0x2] =	wrdreg s2  }
0xb0: {  	[dreg:$0x3] =	wrdreg s24  }
0xb1: {  	[dreg:$0x4] =	wrdreg s18  }
0xb2: {  	[dreg:$0x5] =	wrdreg $0x9  }
0xb3: {  	_ =	task.clear_ibuf [dreg:s8], $0x6FFFF;
	_ =	strace $0x90000046  }
0xb4: {  	s29 =	simm.s32 $0x9;
	_ =	strace $0x80000048  }
0xb5: {  	_ =	swait.ge [sflag:s29], $0x1  }
0xb6: {  	[sflag:s29] =	ssyncadd.s32 $0xFFFFFFFF  }
0xb7: {  	_ =	strace $0x90000048  }
0xb8: {  	_ =	sfence  }
0xb9: {  	s30 =	sld [smem:$0x0];
	_ =	sdelay $0x2  }
0xba: {  	s31 =	sshll.u32 s1, $0xD;
	s1 =	sshrl.u32 s1, $0x2  }
0xbb: {  	s3 =	sand.u32 $0x4000, s31;
	s1 =	sadd.s32 s1, s30  }
0xbc: {  	s0 =	sor.u32 s3, s0;
	s1 =	sshll.u32 s1, $0x11  }
0xbd: {  	s0 =	sor.u32 s1, s0  }
0xbe: {  	s0 =	sadd.s32 $0x8F2B, s0  }
0xbf: {  	[sflag:s0] =	ssyncadd.remote.s32 $0x1  }
0xc0: {  	_ =	sfence.sel $0xFFFF  }
0xc1: {  	[dreg:$0x0] =	wrdreg $0xFFFFFFFF;
	(pc) =	sbr.abs _section_cstart, $3  }
0xc2: {  	[dreg:$0x1] =	wrdreg $0xFFFFFFFF  }
0xc3: {  	_ =	task.clear_ibuf [dreg:s8], $0x2FFFF;
	_ =	strace $0x9FFFFFFF  }
0xc4: {  	(tm) =	ssettm $0x7FFFFFFF  }
0xc5: {  	_ =	shalt  }
tec
execute0_lowered:
.L_overlay_start_1:
0x0: {  	(tag) =	ssettag $0x1  }
0x1: {  	s1 =	rddreg [dreg:$0x0]  }
0x2: {  	s4 =	rddreg [dreg:$0x1];
	s2 =	srdreg.scid  }
0x3: {  	s0 =	stileid.u32;
	s6 =	rddreg [dreg:$0x2];
	s10 =	simm.s32 $0x80  }
0x4: {  	s11 =	simm.s32 $0x400;
	s12 =	simm.s32 $0x0;
	s5 =	sand.u32 $0x1, s2  }
0x5: {  	s3 =	sshll.u32 s0, $0x1;
	s2 =	rddreg [dreg:$0x3];
	s8 =	sshrl.u32 s0, $0x2  }
0x6: {  	s4 =	sadd.s32 $0x400, s4;
	s7 =	sor.u32 s5, s3;
	s3 =	simm.s32 $0x0  }
0x7: {  	s8 =	smul.u32 $0x82400, s8;
	s5 =	ssub.s32 $0x2, s5;
	s9 =	sshll.u32 s7, $0x7  }
0x8: {  	[smem:$0x7FF] =	sst s3;
	s31 =	sshrl.u32 s5, $0x1;
	s9 =	sand.u32 $0x380, s9  }
0x9: {  	_ =	strace $0x80000047;
	s8 =	sor.u32 s8, s9;
	s9 =	ssub.s32 s5, s31  }
0xa: {  	s5 =	smul.u32 $0x32000, s7;
	s8 =	sshrl.u32 s8, $0x3;
	s7 =	smax.u32 s9, $0x1  }
0xb: {  	v0 =	vimm.f32 $0.0e+00;
	s9 =	simm.s32 $0x10480;
	s6 =	sadd.s32 s6, s8;
	s8 =	simm.s32 $0x1  }
.LBB2_1:
0xc: {  	[tilespmem:s3], [sflag:$0x1] =	stream.linear.gather [hbm4b:s1+s3], $0x10480, $0x38;
	[tilespmem:$0x15680] =	vst v63  }
0xd: {  	_ =	swait.ge [sflag:s8], $0x10480  }
0xe: {  	[sflag:s8] =	ssyncset.done $0x0  }
0xf: {  	s13 =	simm.s32 $0x0;
	[sflag:s8] =	ssyncadd.s32 $0xFFFEFB80  }
.LBB2_2:
0x10: {  	s14 =	sshll.u32 s13, $0xD  }
0x11: {  	s14 =	sadd.s32 s5, s14  }
0x12: {  	s14 =	sshrl.u32 s14, $0x3  }
0x13: {  	s15 =	sadd.s32 s4, s14;
	s14 =	simm.s32 $0x0  }
0x14: {  	[tilespmem:s9], [sflag:$0x1] =	stream.linear.gather [hbm4b:s15+s14], $0x2000, $0x38;
	[tilespmem:$0x15680] =	vst v63  }
0x15: {  	s31 =	sshll.u32 s13, $0x9;
	_ =	swait.ge [sflag:s8], $0x2000  }
0x16: {  	s15 =	sand.u32 $0x3FFFFE00, s31;
	[sflag:s8] =	ssyncset.done $0x0  }
0x17: {  	s15 =	sadd.s32 $0x12480, s15;
	[sflag:s8] =	ssyncadd.s32 $0xFFFFE000  }
.LBB2_3:
0x18: {  	s18 =	sshll.u32 s14, $0x7  }
0x19: {  	s17 =	sshll.u32 s14, $0x4;
	s19 =	sand.u32 $0xC00, s18  }
0x1a: {  	s16 =	sand.u32 $0x60, s17;
	s21 =	sadd.s32 $0x10480, s19  }
0x1b: {  	s20 =	sor.u32 s16, s21  }
0x1c: {  	v1 =	vld [tilespmem:s20+$0x0]  }
0x1d: {  	v2 =	vld [tilespmem:s20+$0x80]  }
0x1e: {  	v8 =	vld [tilespmem:s20+$0x100]  }
0x1f: {  	v9 =	vld [tilespmem:s20+$0x180];
	_ =	sdelay $0x3  }
0x20: {  	v3 =	vmax.f32 v1, $0.0e+00  }
0x21: {  	v4 =	vmax.f32 v2, $0.0e+00;
	v7 =	vadd.f32 v1, v8;
	v11 =	vadd.f32 v2, v9  }
0x22: {  	v2 =	vimm.f32 $0.0e+00;
	v3 =	vmin.f32 v3, $2.565000000e+02;
	v4 =	vmin.f32 v4, $2.565000000e+02  }
0x23: {  	v1 =	vtrunc.f32 v3;
	v5 =	vtrunc.f32 v4;
	v6 =	vmax.f32 v7, $0.0e+00  }
0x24: {  	v1 =	vcvt.f32.s32 v1;
	v10 =	vmin.f32 v6, $2.565000000e+02;
	v5 =	vcvt.f32.s32 v5  }
0x25: {  	v14 =	vmax.f32 v11, $0.0e+00;
	v21 =	vadd.f32 v11, v9;
	v12 =	vtrunc.f32 v10  }
0x26: {  	v6 =	vmul.u32 $0x102, v1;
	v1 =	vcvt.s32.f32 v1;
	v13 =	vcvt.s32.f32 v5  }
0x27: {  	v24 =	vadd.f32 v7, v8;
	v17 =	vmin.f32 v14, $2.565000000e+02;
	v12 =	vcvt.f32.s32 v12  }
0x28: {  	s22 =	sor.u32 s16, s18;
	v16 =	vld [tilespmem:s20+$0x280];
	v19 =	vtrunc.f32 v17;
	v3 =	vsub.f32 v3, v1;
	v4 =	vsub.f32 v4, v13  }
0x29: {  	s30 =	sor.u32 $0x300, s22;
	v5 =	vadd.s32 v5, v6;
	v6 =	vld [tilespmem:s20+$0x200];
	v14 =	vmul.u32 $0x102, v12;
	v12 =	vcvt.s32.f32 v12  }
0x2a: {  	v19 =	vcvt.f32.s32 v19;
	v1 =	vld [tilespmem:s30+$0x10480];
	v13 =	vsub.f32 $1.000000000e+00, v3;
	v15 =	vsub.f32 $1.000000000e+00, v4  }
0x2b: {  	v18 =	vadd.s32 $0x1, v5;
	v20 =	vadd.s32 $0x102, v5;
	v11 =	vsub.f32 v10, v12  }
0x2c: {  	v12 =	vadd.s32 $0x103, v5;
	v23 =	vmul.f32 v4, v13;
	v10 =	vmul.f32 v15, v13  }
0x2d: {  	v33 =	vmul.f32 v15, v3;
	v13 =	vmul.f32 v4, v3;
	v15 =	vsub.f32 $1.000000000e+00, v11  }
0x2e: {  	v3 =	vcvt.s32.f32 v19;
	v19 =	vadd.s32 v19, v14;
	v14 =	vmax.f32 v21, $0.0e+00  }
0x2f: {  	v22 =	vld.idx.msk [tilespmem:v5+s3+$0x0], $0xffff;
	v5 =	vmul.f32 v16, v6;
	v7 =	vmul.f32 v16, v1;
	v26 =	vadd.s32 $0x1, v19  }
0x30: {  	s31 =	sor.u32 s17, s18;
	v14 =	vmin.f32 v14, $2.565000000e+02;
	v32 =	vadd.s32 $0x102, v19;
	v16 =	vadd.f32 v24, v8  }
0x31: {  	s20 =	sor.u32 $0x380, s31;
	v4 =	vld.idx.msk [tilespmem:v18+s3+$0x0], $0xffff;
	v18 =	vadd.f32 v21, v9;
	v29 =	vsub.f32 v17, v3;
	v17 =	vmax.f32 v24, $0.0e+00  }
0x32: {  	v25 =	vadd.s32 $0x103, v19;
	v3 =	vld [tilespmem:s20+$0x10480];
	v24 =	vmin.f32 v17, $2.565000000e+02;
	v21 =	vmax.f32 v16, $0.0e+00  }
0x33: {  	v34 =	vld.idx.msk [tilespmem:v20+s3+$0x0], $0xffff;
	v28 =	vmax.f32 v18, $0.0e+00;
	v17 =	vtrunc.f32 v24;
	v27 =	vmul.f32 v29, v15  }
0x34: {  	v36 =	vcvt.f32.s32 v17;
	v17 =	vmin.f32 v21, $2.565000000e+02;
	v21 =	vld.idx.msk [tilespmem:v19+s3+$0x0], $0xffff;
	v19 =	vmul.f32 v29, v11  }
0x35: {  	v20 =	vld.idx.msk [tilespmem:v12+s3+$0x0], $0xffff;
	v12 =	vmin.f32 v28, $2.565000000e+02;
	v31 =	vmul.f32 v22, v10;
	v22 =	vtrunc.f32 v14  }
0x36: {  	s20 =	sadd.s32 $0x11480, s19;
	v29 =	vsub.f32 $1.000000000e+00, v29;
	v28 =	vld.idx.msk [tilespmem:v26+s3+$0x0], $0xffff;
	v35 =	vmul.f32 v4, v23;
	v23 =	vtrunc.f32 v17  }
0x37: {  	s19 =	sor.u32 s16, s20;
	v10 =	vmul.f32 v7, v5;
	v26 =	vld.idx.msk [tilespmem:v32+s3+$0x0], $0xffff;
	v30 =	vmul.u32 $0x102, v36;
	v23 =	vcvt.f32.s32 v23  }
0x38: {  	v4 =	vld [tilespmem:s19+$0x0];
	s19 =	simm.s32 $0xE;
	v32 =	vcvt.s32.f32 v36;
	v33 =	vmul.f32 v34, v33;
	v31 =	vadd.f32 v35, v31  }
.LBB2_4:
0x39: {  	p0 =	sne.s32 s19, $0x1;
	s19 =	sadd.s32 $0xFFFFFFFF, s19;
	v22 =	vcvt.f32.s32 v22;
	v34 =	vmul.u32 $0x102, v23;
	v15 =	vmul.f32 v29, v15;
	v25 =	vld.idx.msk [tilespmem:v25+s3+$0x0], $0xffff  }
0x3a: {  	v13 =	vmul.f32 v20, v13;
	v24 =	vsub.f32 v24, v32;
	v31 =	vadd.f32 v33, v31  }
0x3b: {  	v27 =	vmul.f32 v28, v27;
	v20 =	vcvt.s32.f32 v22;
	v22 =	vadd.s32 v22, v30  }
0x3c: {  	v11 =	vmul.f32 v29, v11;
	v15 =	vmul.f32 v21, v15;
	v28 =	vadd.s32 $0x1, v22  }
0x3d: {  	v29 =	vtrunc.f32 v12;
	v21 =	vsub.f32 $1.000000000e+00, v24;
	v13 =	vadd.f32 v13, v31  }
0x3e: {  	v30 =	vadd.s32 $0x102, v22;
	v14 =	vsub.f32 v14, v20;
	v20 =	vmul.f32 v26, v11  }
0x3f: {  	v18 =	vadd.f32 v18, v9;
	v11 =	vcvt.s32.f32 v23;
	v15 =	vadd.f32 v27, v15  }
0x40: {  	v19 =	vmul.f32 v25, v19;
	v23 =	vsub.f32 $1.000000000e+00, v14;
	v26 =	vmul.f32 v14, v21;
	v27 =	vld.idx.msk [tilespmem:v22+s3+$0x0], $0xffff  }
0x41: {  	v11 =	vsub.f32 v17, v11;
	v17 =	vmul.f32 v13, v6;
	v6 =	vmovc v10;
	v22 =	vadd.s32 $0x103, v22  }
0x42: {  	v20 =	vadd.f32 v20, v15;
	v21 =	vmul.f32 v23, v21;
	v33 =	vmul.f32 v23, v24  }
0x43: {  	v7 =	vmul.f32 v7, v1;
	v13 =	vmul.f32 v14, v24;
	v15 =	vsub.f32 $1.000000000e+00, v11  }
0x44: {  	v14 =	vcvt.f32.s32 v29;
	v24 =	vadd.f32 v16, v8;
	v16 =	vadd.f32 v19, v20;
	v23 =	vld.idx.msk [tilespmem:v28+s3+$0x0], $0xffff  }
0x45: {  	v10 =	vmul.f32 v7, v10;
	v7 =	vmul.f32 v7, v1;
	v2 =	vadd.f32 v17, v2  }
0x46: {  	v17 =	vcvt.s32.f32 v14;
	v19 =	vadd.s32 v14, v34;
	v16 =	vmul.f32 v16, v5;
	v20 =	vld.idx.msk [tilespmem:v22+s3+$0x0], $0xffff  }
0x47: {  	v14 =	vmax.f32 v18, $0.0e+00;
	v5 =	vmovc v10;
	v28 =	vadd.s32 $0x1, v19;
	v31 =	vmul.f32 v27, v21  }
0x48: {  	v14 =	vmin.f32 v14, $2.565000000e+02;
	v29 =	vadd.s32 $0x102, v19;
	v2 =	vadd.f32 v16, v2  }
0x49: {  	v18 =	vadd.f32 v18, v9;
	v32 =	vsub.f32 v12, v17;
	v22 =	vtrunc.f32 v14;
	v34 =	vld.idx.msk [tilespmem:v30+s3+$0x0], $0xffff  }
0x4a: {  	v12 =	vmax.f32 v24, $0.0e+00;
	v10 =	vmul.f32 v7, v5;
	v16 =	vadd.f32 v24, v8  }
0x4b: {  	v24 =	vmin.f32 v12, $2.565000000e+02;
	v12 =	vmax.f32 v18, $0.0e+00;
	v35 =	vmul.f32 v23, v26;
	v21 =	vld.idx.msk [tilespmem:v19+s3+$0x0], $0xffff  }
.Ltmp0:
0x4c: {  	v25 =	vadd.s32 $0x103, v19;
	v17 =	vtrunc.f32 v24;
	v23 =	vmax.f32 v16, $0.0e+00;
	(pc) =	sbr.rel @p0 .LBB2_4-.Ltmp0, $4  }
0x4d: {  	v27 =	vmul.f32 v32, v15;
	v36 =	vcvt.f32.s32 v17;
	v17 =	vmin.f32 v23, $2.565000000e+02;
	v28 =	vld.idx.msk [tilespmem:v28+s3+$0x0], $0xffff  }
0x4e: {  	v12 =	vmin.f32 v12, $2.565000000e+02;
	v23 =	vtrunc.f32 v17;
	v19 =	vmul.f32 v32, v11;
	v26 =	vld.idx.msk [tilespmem:v29+s3+$0x0], $0xffff  }
0x4f: {  	v30 =	vmul.u32 $0x102, v36;
	v23 =	vcvt.f32.s32 v23;
	v29 =	vsub.f32 $1.000000000e+00, v32  }
0x50: {  	v31 =	vadd.f32 v35, v31;
	v32 =	vcvt.s32.f32 v36;
	v33 =	vmul.f32 v34, v33  }
0x51: {  	v8 =	vcvt.f32.s32 v22;
	v15 =	vmul.f32 v29, v15  }
0x52: {  	v9 =	vmul.u32 $0x102, v23;
	v18 =	vtrunc.f32 v12;
	v13 =	vmul.f32 v20, v13  }
0x53: {  	v16 =	vsub.f32 v24, v32;
	v18 =	vcvt.f32.s32 v18;
	v24 =	vadd.s32 v8, v30  }
0x54: {  	v11 =	vmul.f32 v29, v11;
	v22 =	vadd.f32 v33, v31;
	v20 =	vadd.s32 $0x1, v24  }
0x55: {  	v27 =	vmul.f32 v28, v27;
	v28 =	vadd.s32 $0x102, v24;
	v9 =	vadd.s32 v18, v9  }
0x56: {  	v25 =	vld.idx.msk [tilespmem:v25+s3+$0x0], $0xffff;
	v8 =	vcvt.s32.f32 v8;
	v15 =	vmul.f32 v21, v15;
	v30 =	vadd.s32 $0x1, v9  }
0x57: {  	v11 =	vmul.f32 v26, v11;
	v13 =	vadd.f32 v13, v22;
	v22 =	vadd.s32 $0x103, v24  }
0x58: {  	v18 =	vcvt.s32.f32 v18;
	v8 =	vsub.f32 v14, v8;
	v14 =	vcvt.s32.f32 v23;
	v21 =	vld.idx.msk [tilespmem:v24+s3+$0x0], $0xffff  }
0x59: {  	v29 =	vsub.f32 $1.000000000e+00, v16;
	v15 =	vadd.f32 v27, v15;
	v24 =	vadd.s32 $0x102, v9;
	v20 =	vld.idx.msk [tilespmem:v20+s3+$0x0], $0xffff  }
0x5a: {  	v12 =	vsub.f32 v12, v18;
	v18 =	vadd.s32 $0x103, v9;
	v14 =	vsub.f32 v17, v14;
	v17 =	vld.idx.msk [tilespmem:v28+s3+$0x0], $0xffff  }
0x5b: {  	v19 =	vmul.f32 v25, v19;
	v6 =	vmul.f32 v13, v6;
	v23 =	vsub.f32 $1.000000000e+00, v8;
	v28 =	vld.idx.msk [tilespmem:v30+s3+$0x0], $0xffff  }
0x5c: {  	v26 =	vmul.f32 v8, v29;
	v8 =	vmul.f32 v8, v16;
	v13 =	vsub.f32 $1.000000000e+00, v14;
	v9 =	vld.idx.msk [tilespmem:v9+s3+$0x0], $0xffff  }
0x5d: {  	v25 =	vsub.f32 $1.000000000e+00, v12;
	v27 =	vmul.f32 v23, v29;
	v23 =	vmul.f32 v23, v16;
	v22 =	vld.idx.msk [tilespmem:v22+s3+$0x0], $0xffff  }
0x5e: {  	v24 =	vld.idx.msk [tilespmem:v24+s3+$0x0], $0xffff;
	v20 =	vmul.f32 v20, v26;
	v26 =	vmul.f32 v12, v13  }
0x5f: {  	v21 =	vmul.f32 v21, v27;
	v13 =	vmul.f32 v25, v13  }
0x60: {  	s22 =	sor.u32 $0x10, s17;
	v11 =	vadd.f32 v11, v15;
	v16 =	vmul.f32 v17, v23;
	v17 =	vld.idx.msk [tilespmem:v18+s3+$0x0], $0xffff;
	v18 =	vmul.f32 v28, v26  }
0x61: {  	s19 =	sand.u32 $0x70, s22;
	v15 =	vadd.f32 v20, v21;
	v20 =	vmul.f32 v25, v14;
	v9 =	vmul.f32 v9, v13  }
0x62: {  	s21 =	sadd.s32 s19, s21;
	v11 =	vadd.f32 v19, v11;
	v12 =	vmul.f32 v12, v14;
	v8 =	vmul.f32 v22, v8  }
0x63: {  	v13 =	vadd.f32 v16, v15;
	v14 =	vmul.f32 v24, v20;
	v9 =	vadd.f32 v18, v9;
	v15 =	vld [tilespmem:s21+$0x0]  }
0x64: {  	v1 =	vmul.f32 v7, v1;
	v7 =	vld [tilespmem:s21+$0x80];
	v2 =	vadd.f32 v6, v2;
	v5 =	vmul.f32 v11, v5  }
0x65: {  	v6 =	vld [tilespmem:s21+$0x100];
	v11 =	vmul.f32 v17, v12;
	v8 =	vadd.f32 v8, v13;
	v9 =	vadd.f32 v14, v9  }
0x66: {  	v1 =	vmul.f32 v1, v10  }
0x67: {  	v2 =	vadd.f32 v5, v2;
	v5 =	vmul.f32 v8, v10;
	v8 =	vadd.f32 v11, v9  }
0x68: {  	v10 =	vmax.f32 v15, $0.0e+00  }
0x69: {  	v2 =	vadd.f32 v5, v2;
	v1 =	vmul.f32 v8, v1;
	v5 =	vmin.f32 v10, $2.565000000e+02  }
0x6a: {  	v9 =	vld [tilespmem:s21+$0x180];
	v8 =	vmax.f32 v7, $0.0e+00;
	v10 =	vadd.f32 v15, v6;
	v11 =	vtrunc.f32 v5  }
0x6b: {  	v8 =	vmin.f32 v8, $2.565000000e+02;
	v11 =	vcvt.f32.s32 v11  }
0x6c: {  	v1 =	vadd.f32 v1, v2;
	v2 =	vtrunc.f32 v8;
	v12 =	vmax.f32 v10, $0.0e+00  }
0x6d: {  	v10 =	vadd.f32 v10, v6;
	v12 =	vmin.f32 v12, $2.565000000e+02;
	v2 =	vcvt.f32.s32 v2  }
0x6e: {  	v13 =	vmul.u32 $0x102, v11;
	v1 =	vmul.f32 v1, v3;
	v3 =	vtrunc.f32 v12  }
0x6f: {  	v7 =	vadd.f32 v7, v9;
	v11 =	vcvt.s32.f32 v11;
	v14 =	vcvt.s32.f32 v2  }
0x70: {  	v13 =	vadd.s32 v2, v13;
	v26 =	vsub.f32 v1, v4;
	v2 =	vimm.f32 $0.0e+00  }
0x71: {  	s23 =	sor.u32 s19, s18;
	v4 =	vcvt.f32.s32 v3;
	v3 =	vld [tilespmem:s21+$0x200];
	v1 =	vmax.f32 v7, $0.0e+00;
	v5 =	vsub.f32 v5, v11  }
0x72: {  	s28 =	sor.u32 $0x300, s23;
	v7 =	vadd.f32 v7, v9;
	v8 =	vsub.f32 v8, v14;
	v14 =	vld [tilespmem:s21+$0x280];
	v16 =	vmin.f32 v1, $2.565000000e+02  }
0x73: {  	v1 =	vld [tilespmem:s28+$0x10480];
	v17 =	vmul.u32 $0x102, v4;
	v15 =	vsub.f32 $1.000000000e+00, v5;
	v4 =	vcvt.s32.f32 v4  }
0x74: {  	v18 =	vadd.s32 $0x1, v13;
	v21 =	vadd.s32 $0x102, v13;
	v19 =	vsub.f32 $1.000000000e+00, v8  }
0x75: {  	v20 =	vtrunc.f32 v16;
	v24 =	vmul.f32 v8, v15;
	v11 =	vsub.f32 v12, v4  }
0x76: {  	v27 =	vadd.s32 $0x103, v13;
	v12 =	vmul.f32 v19, v15;
	v62 =	vmul.f32 v19, v5  }
0x77: {  	v22 =	vld.idx.msk [tilespmem:v13+s3+$0x0], $0xffff;
	v19 =	vcvt.f32.s32 v20;
	v13 =	vmul.f32 v8, v5;
	v15 =	vsub.f32 $1.000000000e+00, v11  }
0x78: {  	v4 =	vmul.f32 v14, v3;
	v8 =	vmul.f32 v14, v1;
	v14 =	vmax.f32 v7, $0.0e+00  }
0x79: {  	v20 =	vld.idx.msk [tilespmem:v18+s3+$0x0], $0xffff;
	v18 =	vadd.f32 v7, v9;
	v7 =	vmax.f32 v10, $0.0e+00;
	v5 =	vcvt.s32.f32 v19  }
0x7a: {  	v19 =	vadd.s32 v19, v17;
	v14 =	vmin.f32 v14, $2.565000000e+02;
	v23 =	vmin.f32 v7, $2.565000000e+02  }
0x7b: {  	v28 =	vadd.s32 $0x1, v19;
	v63 =	vadd.s32 $0x102, v19;
	v17 =	vtrunc.f32 v23  }
0x7c: {  	s29 =	sor.u32 s22, s18;
	s30 =	sadd.s32 s19, s20;
	v34 =	vld.idx.msk [tilespmem:v21+s3+$0x0], $0xffff;
	v29 =	vsub.f32 v16, v5;
	v16 =	vadd.f32 v10, v6;
	v10 =	vmul.f32 v8, v4  }
0x7d: {  	s18 =	sor.u32 $0x380, s29;
	v7 =	vld [tilespmem:s30+$0x0];
	v25 =	vadd.s32 $0x103, v19;
	v36 =	vcvt.f32.s32 v17;
	v31 =	vmul.f32 v22, v12  }
0x7e: {  	v5 =	vld [tilespmem:s18+$0x10480];
	v22 =	vtrunc.f32 v14;
	v12 =	vmax.f32 v18, $0.0e+00;
	v21 =	vmax.f32 v16, $0.0e+00  }
0x7f: {  	s31 =	sand.u32 $0x180, s17;
	v35 =	vmul.f32 v20, v24;
	v20 =	vld.idx.msk [tilespmem:v27+s3+$0x0], $0xffff;
	v27 =	vmul.f32 v29, v15;
	v17 =	vmin.f32 v21, $2.565000000e+02  }
0x80: {  	s17 =	sadd.s32 s31, s15;
	v12 =	vmin.f32 v12, $2.565000000e+02;
	v30 =	vmul.u32 $0x102, v36;
	v24 =	vtrunc.f32 v17;
	v28 =	vld.idx.msk [tilespmem:v28+s3+$0x0], $0xffff  }
0x81: {  	s16 =	sadd.s32 s16, s17;
	v21 =	vld.idx.msk [tilespmem:v19+s3+$0x0], $0xffff;
	v19 =	vmul.f32 v29, v11;
	v29 =	vsub.f32 $1.000000000e+00, v29;
	v24 =	vcvt.f32.s32 v24  }
0x82: {  	[tilespmem:s16+$0x0] =	vst v26;
	s16 =	simm.s32 $0xE;
	v32 =	vcvt.s32.f32 v36;
	v33 =	vmul.f32 v34, v62;
	v26 =	vld.idx.msk [tilespmem:v63+s3+$0x0], $0xffff;
	v31 =	vadd.f32 v35, v31  }
.LBB2_6:
0x83: {  	p0 =	sne.s32 s16, $0x1;
	s16 =	sadd.s32 $0xFFFFFFFF, s16;
	v22 =	vcvt.f32.s32 v22;
	v34 =	vmul.u32 $0x102, v24;
	v15 =	vmul.f32 v29, v15;
	v25 =	vld.idx.msk [tilespmem:v25+s3+$0x0], $0xffff  }
0x84: {  	v13 =	vmul.f32 v20, v13;
	v23 =	vsub.f32 v23, v32;
	v31 =	vadd.f32 v33, v31  }
0x85: {  	v27 =	vmul.f32 v28, v27;
	v20 =	vcvt.s32.f32 v22;
	v22 =	vadd.s32 v22, v30  }
0x86: {  	v11 =	vmul.f32 v29, v11;
	v15 =	vmul.f32 v21, v15;
	v28 =	vadd.s32 $0x1, v22  }
0x87: {  	v29 =	vtrunc.f32 v12;
	v21 =	vsub.f32 $1.000000000e+00, v23;
	v13 =	vadd.f32 v13, v31  }
0x88: {  	v30 =	vadd.s32 $0x102, v22;
	v14 =	vsub.f32 v14, v20;
	v20 =	vmul.f32 v26, v11  }
0x89: {  	v18 =	vadd.f32 v18, v9;
	v11 =	vcvt.s32.f32 v24;
	v15 =	vadd.f32 v27, v15  }
0x8a: {  	v19 =	vmul.f32 v25, v19;
	v24 =	vsub.f32 $1.000000000e+00, v14;
	v26 =	vmul.f32 v14, v21;
	v27 =	vld.idx.msk [tilespmem:v22+s3+$0x0], $0xffff  }
0x8b: {  	v11 =	vsub.f32 v17, v11;
	v17 =	vmul.f32 v13, v3;
	v3 =	vmovc v10;
	v22 =	vadd.s32 $0x103, v22  }
0x8c: {  	v20 =	vadd.f32 v20, v15;
	v21 =	vmul.f32 v24, v21;
	v33 =	vmul.f32 v24, v23  }
0x8d: {  	v8 =	vmul.f32 v8, v1;
	v13 =	vmul.f32 v14, v23;
	v15 =	vsub.f32 $1.000000000e+00, v11  }
0x8e: {  	v14 =	vcvt.f32.s32 v29;
	v23 =	vadd.f32 v16, v6;
	v16 =	vadd.f32 v19, v20;
	v24 =	vld.idx.msk [tilespmem:v28+s3+$0x0], $0xffff  }
0x8f: {  	v10 =	vmul.f32 v8, v10;
	v8 =	vmul.f32 v8, v1;
	v2 =	vadd.f32 v17, v2  }
0x90: {  	v17 =	vcvt.s32.f32 v14;
	v19 =	vadd.s32 v14, v34;
	v16 =	vmul.f32 v16, v4;
	v20 =	vld.idx.msk [tilespmem:v22+s3+$0x0], $0xffff  }
0x91: {  	v14 =	vmax.f32 v18, $0.0e+00;
	v4 =	vmovc v10;
	v28 =	vadd.s32 $0x1, v19;
	v31 =	vmul.f32 v27, v21  }
0x92: {  	v14 =	vmin.f32 v14, $2.565000000e+02;
	v29 =	vadd.s32 $0x102, v19;
	v2 =	vadd.f32 v16, v2  }
0x93: {  	v18 =	vadd.f32 v18, v9;
	v32 =	vsub.f32 v12, v17;
	v22 =	vtrunc.f32 v14;
	v34 =	vld.idx.msk [tilespmem:v30+s3+$0x0], $0xffff  }
0x94: {  	v12 =	vmax.f32 v23, $0.0e+00;
	v10 =	vmul.f32 v8, v4;
	v16 =	vadd.f32 v23, v6  }
0x95: {  	v23 =	vmin.f32 v12, $2.565000000e+02;
	v12 =	vmax.f32 v18, $0.0e+00;
	v35 =	vmul.f32 v24, v26;
	v21 =	vld.idx.msk [tilespmem:v19+s3+$0x0], $0xffff  }
.Ltmp1:
0x96: {  	v25 =	vadd.s32 $0x103, v19;
	v17 =	vtrunc.f32 v23;
	v24 =	vmax.f32 v16, $0.0e+00;
	(pc) =	sbr.rel @p0 .LBB2_6-.Ltmp1, $4  }
0x97: {  	v27 =	vmul.f32 v32, v15;
	v36 =	vcvt.f32.s32 v17;
	v17 =	vmin.f32 v24, $2.565000000e+02;
	v28 =	vld.idx.msk [tilespmem:v28+s3+$0x0], $0xffff  }
0x98: {  	v12 =	vmin.f32 v12, $2.565000000e+02;
	v24 =	vtrunc.f32 v17;
	v19 =	vmul.f32 v32, v11;
	v26 =	vld.idx.msk [tilespmem:v29+s3+$0x0], $0xffff  }
0x99: {  	v30 =	vmul.u32 $0x102, v36;
	v24 =	vcvt.f32.s32 v24;
	v29 =	vsub.f32 $1.000000000e+00, v32  }
0x9a: {  	v31 =	vadd.f32 v35, v31;
	v32 =	vcvt.s32.f32 v36;
	v33 =	vmul.f32 v34, v33  }
0x9b: {  	v6 =	vcvt.f32.s32 v22;
	v15 =	vmul.f32 v29, v15  }
0x9c: {  	v9 =	vmul.u32 $0x102, v24;
	v18 =	vtrunc.f32 v12;
	v13 =	vmul.f32 v20, v13  }
0x9d: {  	v11 =	vmul.f32 v29, v11;
	v39 =	vcvt.s32.f32 v24;
	v34 =	vadd.s32 v6, v30  }
0x9e: {  	v16 =	vsub.f32 v23, v32;
	v18 =	vcvt.f32.s32 v18;
	v35 =	vadd.s32 $0x1, v34  }
0x9f: {  	v25 =	vld.idx.msk [tilespmem:v25+s3+$0x0], $0xffff;
	v33 =	vadd.f32 v33, v31;
	v27 =	vmul.f32 v28, v27;
	v36 =	vadd.s32 $0x102, v34  }
0xa0: {  	v6 =	vcvt.s32.f32 v6;
	v15 =	vmul.f32 v21, v15;
	v9 =	vadd.s32 v18, v9  }
0xa1: {  	v11 =	vmul.f32 v26, v11;
	v37 =	vsub.f32 $1.000000000e+00, v16;
	v38 =	vadd.s32 $0x1, v9  }
0xa2: {  	v13 =	vadd.f32 v13, v33;
	v41 =	vadd.s32 $0x103, v34;
	v18 =	vcvt.s32.f32 v18;
	v40 =	vld.idx.msk [tilespmem:v34+s3+$0x0], $0xffff  }
0xa3: {  	v6 =	vsub.f32 v14, v6;
	v43 =	vadd.s32 $0x102, v9;
	v14 =	vsub.f32 v17, v39;
	v20 =	vld.idx.msk [tilespmem:v35+s3+$0x0], $0xffff  }
0xa4: {  	v48 =	vadd.s32 $0x103, v9;
	v47 =	vsub.f32 v12, v18;
	v19 =	vmul.f32 v25, v19;
	v45 =	vld.idx.msk [tilespmem:v36+s3+$0x0], $0xffff  }
0xa5: {  	v3 =	vmul.f32 v13, v3;
	v42 =	vsub.f32 $1.000000000e+00, v6;
	v44 =	vmul.f32 v6, v37;
	v9 =	vld.idx.msk [tilespmem:v9+s3+$0x0], $0xffff  }
0xa6: {  	v50 =	vsub.f32 $1.000000000e+00, v14;
	v6 =	vmul.f32 v6, v16;
	v51 =	vsub.f32 $1.000000000e+00, v47;
	v49 =	vld.idx.msk [tilespmem:v38+s3+$0x0], $0xffff  }
0xa7: {  	v46 =	vmul.f32 v42, v37;
	v23 =	vmul.f32 v42, v16;
	v22 =	vld.idx.msk [tilespmem:v41+s3+$0x0], $0xffff  }
0xa8: {  	v15 =	vadd.f32 v27, v15;
	v52 =	vmul.f32 v47, v50;
	v24 =	vld.idx.msk [tilespmem:v43+s3+$0x0], $0xffff;
	v13 =	vmul.f32 v51, v50  }
0xa9: {  	v21 =	vmul.f32 v40, v46;
	v20 =	vmul.f32 v20, v44  }
0xaa: {  	v11 =	vadd.f32 v11, v15;
	v55 =	vld.idx.msk [tilespmem:v48+s3+$0x0], $0xffff;
	v57 =	vmul.f32 v51, v14;
	v54 =	vmul.f32 v45, v23  }
0xab: {  	v9 =	vmul.f32 v9, v13;
	v56 =	vmul.f32 v49, v52;
	v53 =	vadd.f32 v20, v21  }
0xac: {  	v12 =	vmul.f32 v47, v14;
	v11 =	vadd.f32 v19, v11;
	v6 =	vmul.f32 v22, v6  }
0xad: {  	v59 =	vmul.f32 v24, v57;
	v9 =	vadd.f32 v56, v9;
	v58 =	vadd.f32 v54, v53  }
0xae: {  	v1 =	vmul.f32 v8, v1;
	v2 =	vadd.f32 v3, v2;
	v3 =	vmul.f32 v11, v4  }
0xaf: {  	v61 =	vmul.f32 v55, v12;
	v62 =	vadd.f32 v59, v9;
	v60 =	vadd.f32 v6, v58  }
0xb0: {  	v1 =	vmul.f32 v1, v10  }
0xb1: {  	v2 =	vadd.f32 v3, v2;
	v63 =	vadd.f32 v61, v62;
	v3 =	vmul.f32 v60, v10;
	_ =	sdelay $0x1  }
0xb2: {  	v1 =	vmul.f32 v63, v1;
	v2 =	vadd.f32 v3, v2;
	_ =	sdelay $0x1  }
0xb3: {  	v1 =	vadd.f32 v1, v2  }
0xb4: {  	p0 =	slt.u32 s14, $0x1E  }
.Ltmp2:
0xb5: {  	v1 =	vmul.f32 v1, v5;
	(pc) =	sbr.rel @p0 .LBB2_3-.Ltmp2, $4  }
0xb6: {  	_ = 	snop  }
0xb7: {  	v1 =	vsub.f32 v1, v7  }
0xb8: {  	s16 =	sadd.s32 s19, s17;
	s31 =	sadd.s32 $0x2, s14  }
0xb9: {  	s14 =	smov.u32 s31;
	[tilespmem:s16+$0x0] =	vst v1  }
0xba: {  	s13 =	sadd.s32 $0x1, s13  }
0xbb: {  	p0 =	sne.s32 s13, $0x19  }
.Ltmp3:
0xbc: {  	_ = 	snop;
	(pc) =	sbr.rel @p0 .LBB2_2-.Ltmp3, $1  }
0xbd: {  	_ =	sdelay $0x3  }
0xbe: {  	s13 =	simm.s32 $0x20  }
0xbf: {  	[tilespmem:s13+$0xFFFFFFE0] =	vst v0  }
0xc0: {  	[tilespmem:s13+$0x10] =	vst v0  }
0xc1: {  	s14 =	simm.s32 $0x0;
	[tilespmem:s13+$0x0] =	vst v0  }
.LBB2_10:
0xc2: {  	s14 =	sadd.s32 $0x40, s14  }
0xc3: {  	[tilespmem:s13+$0xFFFFFFF0] =	vst v0;
	s13 =	sadd.s32 $0x40, s13;
	p0 =	slt.u32 s14, $0x10440  }
.Ltmp4:
0xc4: {  	[tilespmem:s13+$0xFFFFFFE0] =	vst v0;
	(pc) =	sbr.rel @p0 .LBB2_10-.Ltmp4, $3  }
0xc5: {  	_ =	sdelay $0x1  }
0xc6: {  	[tilespmem:s13+$0x10] =	vst v0  }
0xc7: {  	[tilespmem:s13+$0x0] =	vst v0  }
0xc8: {  	[tilespmem:s13+$0xFFFFFFF0] =	vst v0;
	s13 =	simm.s32 $0x0;
	s14 =	simm.s32 $0x0  }
.LBB2_12:
0xc9: {  	s15 =	sshll.u32 s14, $0xD  }
0xca: {  	s15 =	sadd.s32 s5, s15  }
0xcb: {  	s15 =	sshrl.u32 s15, $0x3  }
0xcc: {  	s15 =	sadd.s32 s4, s15  }
0xcd: {  	[tilespmem:s9], [sflag:$0x1] =	stream.linear.gather [hbm4b:s15+s13], $0x2000, $0x38;
	[tilespmem:$0x15680] =	vst v63  }
0xce: {  	s31 =	sshll.u32 s14, $0x9;
	_ =	swait.ge [sflag:s8], $0x2000  }
0xcf: {  	s15 =	sand.u32 $0x3FFFFE00, s31;
	[sflag:s8] =	ssyncset.done $0x0  }
0xd0: {  	s16 =	simm.s32 $0x0;
	s15 =	sadd.s32 $0x12480, s15;
	[sflag:s8] =	ssyncadd.s32 $0xFFFFE000  }
.LBB2_13:
0xd1: {  	s17 =	sshll.u32 s16, $0x4  }
0xd2: {  	s18 =	sshll.u32 s16, $0x7;
	s19 =	sand.u32 $0x60, s17  }
0xd3: {  	s17 =	sand.u32 $0x180, s17;
	s20 =	sor.u32 s19, s18  }
0xd4: {  	s21 =	sand.u32 $0xC00, s18;
	s17 =	sadd.s32 s17, s15;
	s22 =	sor.u32 $0x300, s20  }
0xd5: {  	s20 =	sadd.s32 $0x10480, s21;
	s30 =	sadd.s32 s19, s17;
	v4 =	vld [tilespmem:s22+$0x10480]  }
0xd6: {  	v1 =	vld [tilespmem:s30+$0x0];
	s31 =	sor.u32 s19, s20  }
0xd7: {  	v2 =	vld [tilespmem:s31+$0x0]  }
0xd8: {  	v6 =	vld [tilespmem:s31+$0x80]  }
0xd9: {  	v5 =	vld [tilespmem:s31+$0x100]  }
0xda: {  	v8 =	vld [tilespmem:s31+$0x280]  }
0xdb: {  	v3 =	vld [tilespmem:s31+$0x180]  }
0xdc: {  	v9 =	vld [tilespmem:s31+$0x200];
	_ =	sdelay $0x2  }
0xdd: {  	v10 =	vadd.f32 v2, v5;
	v12 =	vmul.f32 v8, v4  }
0xde: {  	v2 =	vmax.f32 v2, $0.0e+00;
	v7 =	vmax.f32 v6, $0.0e+00;
	v6 =	vadd.f32 v6, v3  }
0xdf: {  	v11 =	vmul.f32 v9, v1;
	v13 =	vmin.f32 v2, $2.565000000e+02;
	v14 =	vmin.f32 v7, $2.565000000e+02  }
0xe0: {  	v2 =	vtrunc.f32 v13;
	v7 =	vtrunc.f32 v14;
	v18 =	vmax.f32 v6, $0.0e+00  }
0xe1: {  	v15 =	vcvt.f32.s32 v2;
	v16 =	vcvt.f32.s32 v7;
	v7 =	vmax.f32 v10, $0.0e+00  }
0xe2: {  	v9 =	vmul.f32 v8, v9;
	v18 =	vmin.f32 v18, $2.565000000e+02;
	v17 =	vmin.f32 v7, $2.565000000e+02  }
0xe3: {  	v7 =	vadd.f32 v6, v3;
	v6 =	vcvt.s32.f32 v15;
	v19 =	vcvt.s32.f32 v16  }
0xe4: {  	v2 =	vmul.f32 v12, v4;
	v21 =	vtrunc.f32 v18;
	v15 =	vmul.u32 $0x102, v15  }
0xe5: {  	v20 =	vtrunc.f32 v17;
	v6 =	vsub.f32 v13, v6;
	v13 =	vsub.f32 v14, v19  }
0xe6: {  	v14 =	vcvt.f32.s32 v21;
	v15 =	vadd.s32 v16, v15;
	v16 =	vadd.f32 v10, v5  }
0xe7: {  	v10 =	vcvt.f32.s32 v20;
	v19 =	vsub.f32 $1.000000000e+00, v6;
	v20 =	vsub.f32 $1.000000000e+00, v13  }
0xe8: {  	v12 =	vmul.f32 v12, v9;
	v22 =	vmul.f32 v13, v6  }
0xe9: {  	v62 =	vadd.s32 $0x103, v15;
	v23 =	vcvt.s32.f32 v14;
	v25 =	vmul.f32 v20, v19  }
0xea: {  	v13 =	vmul.f32 v13, v19;
	v19 =	vmul.u32 $0x102, v10;
	v10 =	vcvt.s32.f32 v10  }
0xeb: {  	v24 =	vadd.s32 $0x1, v15;
	v26 =	vadd.s32 $0x102, v15;
	v20 =	vmul.f32 v20, v6  }
0xec: {  	v18 =	vsub.f32 v18, v23;
	v25 =	vmul.f32 v25, v11;
	v8 =	vsub.f32 v17, v10  }
0xed: {  	v13 =	vmul.f32 v13, v11;
	v6 =	vadd.s32 v14, v19;
	v10 =	vmul.f32 v20, v11  }
0xee: {  	v14 =	vsub.f32 $1.000000000e+00, v18;
	v17 =	vmul.f32 v22, v11;
	v11 =	vsub.f32 $1.000000000e+00, v8  }
0xef: {  	v20 =	vmul.f32 v9, v1;
	v19 =	vmul.f32 v18, v8;
	[tilespmem:v15+s3+$0x0] =	vst.idx.add.f32.msk $0xffff, v25  }
0xf0: {  	v63 =	vmul.f32 v14, v8;
	v8 =	vadd.s32 $0x1, v6;
	[tilespmem:v24+s3+$0x0] =	vst.idx.add.f32.msk $0xffff, v13;
	v13 =	vmul.f32 v14, v11  }
0xf1: {  	v14 =	vmul.f32 v18, v11;
	[tilespmem:v26+s3+$0x0] =	vst.idx.add.f32.msk $0xffff, v10;
	v10 =	vadd.s32 $0x102, v6;
	v11 =	vmul.f32 v19, v20  }
0xf2: {  	v9 =	vadd.s32 $0x103, v6;
	[tilespmem:v62+s3+$0x0] =	vst.idx.add.f32.msk $0xffff, v17;
	v17 =	vmul.f32 v2, v4;
	v15 =	vmul.f32 v13, v20  }
0xf3: {  	s21 =	simm.s32 $0xE;
	v18 =	vadd.f32 v16, v5;
	v14 =	vmul.f32 v14, v20;
	v13 =	vmul.f32 v63, v20  }
.LBB2_14:
0xf4: {  	p0 =	sne.s32 s21, $0x1;
	s21 =	sadd.s32 $0xFFFFFFFF, s21;
	v19 =	vmul.f32 v12, v1;
	v16 =	vmax.f32 v16, $0.0e+00;
	v20 =	vmax.f32 v7, $0.0e+00;
	[tilespmem:v6+s3+$0x0] =	vst.idx.add.f32.msk $0xffff, v15  }
0xf5: {  	v6 =	vmin.f32 v16, $2.565000000e+02;
	v15 =	vmin.f32 v20, $2.565000000e+02;
	v20 =	vmul.f32 v17, v4;
	[tilespmem:v8+s3+$0x0] =	vst.idx.add.f32.msk $0xffff, v14  }
0xf6: {  	v7 =	vadd.f32 v7, v3;
	v8 =	vtrunc.f32 v6;
	v14 =	vtrunc.f32 v15;
	[tilespmem:v10+s3+$0x0] =	vst.idx.add.f32.msk $0xffff, v13  }
0xf7: {  	v13 =	vmax.f32 v18, $0.0e+00;
	v8 =	vcvt.f32.s32 v8;
	v10 =	vcvt.f32.s32 v14;
	[tilespmem:v9+s3+$0x0] =	vst.idx.add.f32.msk $0xffff, v11  }
0xf8: {  	v9 =	vmin.f32 v13, $2.565000000e+02;
	v11 =	vmax.f32 v7, $0.0e+00;
	v7 =	vadd.f32 v7, v3  }
0xf9: {  	v11 =	vmin.f32 v11, $2.565000000e+02;
	v13 =	vcvt.s32.f32 v8;
	v14 =	vcvt.s32.f32 v10  }
0xfa: {  	v16 =	vtrunc.f32 v9;
	v8 =	vmul.u32 $0x102, v8;
	v21 =	vtrunc.f32 v11  }
0xfb: {  	v6 =	vsub.f32 v6, v13;
	v13 =	vsub.f32 v15, v14;
	v14 =	vcvt.f32.s32 v21  }
0xfc: {  	v8 =	vadd.s32 v10, v8;
	v10 =	vcvt.f32.s32 v16;
	v16 =	vadd.f32 v18, v5  }
0xfd: {  	v21 =	vadd.s32 $0x103, v8;
	v15 =	vsub.f32 $1.000000000e+00, v6;
	v18 =	vsub.f32 $1.000000000e+00, v13  }
0xfe: {  	v22 =	vadd.s32 $0x1, v8;
	v23 =	vmul.f32 v13, v6;
	v24 =	vcvt.s32.f32 v14  }
0xff: {  	v25 =	vmul.f32 v18, v15;
	v13 =	vmul.f32 v13, v15;
	v15 =	vmul.u32 $0x102, v10  }
0x100: {  	v26 =	vadd.s32 $0x102, v8;
	v18 =	vmul.f32 v18, v6;
	v6 =	vcvt.s32.f32 v10  }
0x101: {  	v11 =	vsub.f32 v11, v24;
	v10 =	vmul.f32 v25, v19;
	v13 =	vmul.f32 v13, v19  }
0x102: {  	v12 =	vmul.f32 v2, v12;
	v2 =	vmovc v20;
	v9 =	vsub.f32 v9, v6;
	v6 =	vadd.s32 v14, v15  }
0x103: {  	v14 =	vsub.f32 $1.000000000e+00, v11;
	[tilespmem:v8+s3+$0x0] =	vst.idx.add.f32.msk $0xffff, v10;
	v10 =	vmul.f32 v18, v19;
	v8 =	vadd.s32 $0x1, v6  }
0x104: {  	v15 =	vsub.f32 $1.000000000e+00, v9;
	v18 =	vmul.f32 v11, v9;
	[tilespmem:v22+s3+$0x0] =	vst.idx.add.f32.msk $0xffff, v13;
	v13 =	vmul.f32 v23, v19  }
.Ltmp5:
0x105: {  	v19 =	vmul.f32 v12, v1;
	v22 =	vmul.f32 v14, v9;
	[tilespmem:v26+s3+$0x0] =	vst.idx.add.f32.msk $0xffff, v10;
	v10 =	vadd.s32 $0x102, v6;
	(pc) =	sbr.rel @p0 .LBB2_14-.Ltmp5, $4  }
0x106: {  	v9 =	vadd.s32 $0x103, v6;
	[tilespmem:v21+s3+$0x0] =	vst.idx.add.f32.msk $0xffff, v13;
	v13 =	vmul.f32 v14, v15;
	v14 =	vmul.f32 v11, v15  }
0x107: {  	v12 =	vmul.f32 v17, v12;
	v11 =	vmul.f32 v18, v19  }
0x108: {  	v15 =	vmul.f32 v13, v19;
	v14 =	vmul.f32 v14, v19  }
0x109: {  	v17 =	vmul.f32 v20, v4;
	v18 =	vadd.f32 v16, v5;
	v13 =	vmul.f32 v22, v19  }
0x10a: {  	v4 =	vmax.f32 v16, $0.0e+00  }
0x10b: {  	v5 =	vmax.f32 v7, $0.0e+00;
	s19 =	sor.u32 $0x10, s19;
	v4 =	vmin.f32 v4, $2.565000000e+02  }
0x10c: {  	v20 =	vmul.f32 v12, v1;
	v5 =	vmin.f32 v5, $2.565000000e+02;
	s20 =	sadd.s32 s19, s20;
	v16 =	vtrunc.f32 v4  }
0x10d: {  	v3 =	vadd.f32 v7, v3;
	v17 =	vtrunc.f32 v5;
	v49 =	vld [tilespmem:s20+$0x0];
	v16 =	vcvt.f32.s32 v16  }
0x10e: {  	v12 =	vmul.f32 v2, v12;
	v7 =	vmax.f32 v18, $0.0e+00;
	v50 =	vld [tilespmem:s20+$0x80];
	v17 =	vcvt.f32.s32 v17  }
0x10f: {  	v7 =	vmin.f32 v7, $2.565000000e+02;
	v18 =	vcvt.s32.f32 v16  }
0x110: {  	v3 =	vmax.f32 v3, $0.0e+00;
	v12 =	vmul.f32 v12, v1;
	v19 =	vcvt.s32.f32 v17  }
0x111: {  	v3 =	vmin.f32 v3, $2.565000000e+02;
	v16 =	vmul.u32 $0x102, v16;
	v4 =	vsub.f32 v4, v18  }
0x112: {  	v5 =	vsub.f32 v5, v19;
	v18 =	vtrunc.f32 v7;
	v19 =	vtrunc.f32 v3  }
0x113: {  	v16 =	vadd.s32 v17, v16;
	v53 =	vmax.f32 v49, $0.0e+00;
	v32 =	vmax.f32 v50, $0.0e+00  }
0x114: {  	v19 =	vcvt.f32.s32 v19;
	v18 =	vcvt.f32.s32 v18;
	v25 =	vadd.s32 $0x103, v16  }
0x115: {  	v32 =	vmin.f32 v32, $2.565000000e+02;
	v21 =	vsub.f32 $1.000000000e+00, v4;
	v23 =	vmul.f32 v5, v4  }
0x116: {  	v22 =	vsub.f32 $1.000000000e+00, v5;
	v35 =	vtrunc.f32 v32;
	v17 =	vcvt.s32.f32 v19  }
0x117: {  	[tilespmem:v6+s3+$0x0] =	vst.idx.add.f32.msk $0xffff, v15;
	v26 =	vadd.s32 $0x1, v16;
	v47 =	vcvt.s32.f32 v18;
	v54 =	vcvt.f32.s32 v35  }
0x118: {  	[tilespmem:v8+s3+$0x0] =	vst.idx.add.f32.msk $0xffff, v14;
	v28 =	vadd.s32 $0x102, v16;
	v24 =	vmul.f32 v22, v21;
	v5 =	vmul.f32 v5, v21  }
0x119: {  	v4 =	vmul.f32 v22, v4;
	v17 =	vsub.f32 v3, v17;
	v7 =	vsub.f32 v7, v47  }
0x11a: {  	[tilespmem:v10+s3+$0x0] =	vst.idx.add.f32.msk $0xffff, v13;
	v18 =	vmul.u32 $0x102, v18;
	v39 =	vcvt.s32.f32 v54;
	v48 =	vmul.f32 v24, v20  }
0x11b: {  	v3 =	vld [tilespmem:s20+$0x100];
	v27 =	vmul.f32 v4, v20;
	v4 =	vsub.f32 $1.000000000e+00, v17;
	v51 =	vsub.f32 $1.000000000e+00, v7  }
0x11c: {  	v2 =	vld [tilespmem:s20+$0x180];
	v18 =	vadd.s32 v19, v18;
	v5 =	vmul.f32 v5, v20;
	v29 =	vmul.f32 v17, v7  }
0x11d: {  	s18 =	sor.u32 s19, s18;
	[tilespmem:v9+s3+$0x0] =	vst.idx.add.f32.msk $0xffff, v11;
	v20 =	vmul.f32 v23, v20;
	v34 =	vadd.s32 $0x1, v18;
	v1 =	vmul.f32 v4, v51  }
0x11e: {  	s18 =	sor.u32 $0x300, s18;
	v19 =	vld [tilespmem:s20+$0x280];
	v17 =	vmul.f32 v17, v51;
	v52 =	vmul.f32 v29, v12;
	v29 =	vmin.f32 v53, $2.565000000e+02  }
0x11f: {  	v9 =	vadd.s32 $0x102, v18;
	v7 =	vmul.f32 v4, v7;
	v4 =	vld [tilespmem:s18+$0x10480];
	v33 =	vtrunc.f32 v29  }
0x120: {  	v30 =	vld [tilespmem:s20+$0x200];
	v24 =	vadd.f32 v49, v3;
	v31 =	vmul.f32 v1, v12;
	v17 =	vmul.f32 v17, v12  }
0x121: {  	s17 =	sadd.s32 s19, s17;
	v33 =	vcvt.f32.s32 v33;
	v7 =	vmul.f32 v7, v12;
	v12 =	vadd.f32 v50, v2  }
0x122: {  	v59 =	vadd.s32 $0x103, v18;
	v6 =	vsub.f32 v32, v39;
	v1 =	vld [tilespmem:s17+$0x0];
	v56 =	vmax.f32 v24, $0.0e+00  }
0x123: {  	v36 =	vcvt.s32.f32 v33;
	v38 =	vmax.f32 v12, $0.0e+00;
	v15 =	vmin.f32 v56, $2.565000000e+02  }
0x124: {  	[tilespmem:v16+s3+$0x0] =	vst.idx.add.f32.msk $0xffff, v48;
	v8 =	vmul.u32 $0x102, v33;
	v55 =	vmul.f32 v19, v4;
	v38 =	vmin.f32 v38, $2.565000000e+02  }
0x125: {  	[tilespmem:v26+s3+$0x0] =	vst.idx.add.f32.msk $0xffff, v5;
	v14 =	vtrunc.f32 v15;
	v19 =	vmul.f32 v19, v30;
	v29 =	vsub.f32 v29, v36  }
0x126: {  	[tilespmem:v28+s3+$0x0] =	vst.idx.add.f32.msk $0xffff, v27;
	v57 =	vtrunc.f32 v38;
	v10 =	vcvt.f32.s32 v14;
	v14 =	vsub.f32 $1.000000000e+00, v6  }
0x127: {  	[tilespmem:v25+s3+$0x0] =	vst.idx.add.f32.msk $0xffff, v20;
	v11 =	vadd.s32 v54, v8;
	v37 =	vmul.f32 v30, v1;
	v32 =	vcvt.f32.s32 v57  }
0x128: {  	[tilespmem:v18+s3+$0x0] =	vst.idx.add.f32.msk $0xffff, v31;
	v5 =	vmul.f32 v55, v4;
	v20 =	vadd.s32 $0x103, v11;
	v18 =	vadd.s32 $0x1, v11  }
0x129: {  	v62 =	vmul.f32 v19, v1;
	v13 =	vsub.f32 $1.000000000e+00, v29;
	v58 =	vmul.f32 v6, v29  }
0x12a: {  	[tilespmem:v34+s3+$0x0] =	vst.idx.add.f32.msk $0xffff, v17;
	v17 =	vadd.s32 $0x102, v11;
	v60 =	vcvt.s32.f32 v10;
	v8 =	vcvt.s32.f32 v32  }
0x12b: {  	[tilespmem:v9+s3+$0x0] =	vst.idx.add.f32.msk $0xffff, v7;
	v10 =	vmul.u32 $0x102, v10;
	v16 =	vmul.f32 v6, v13;
	v13 =	vmul.f32 v14, v13  }
0x12c: {  	v14 =	vmul.f32 v14, v29;
	v6 =	vadd.f32 v12, v2;
	v12 =	vsub.f32 v38, v8  }
0x12d: {  	v15 =	vsub.f32 v15, v60;
	v9 =	vadd.s32 v32, v10;
	v21 =	vmul.f32 v58, v37  }
0x12e: {  	v8 =	vadd.f32 v24, v3;
	v13 =	vmul.f32 v13, v37;
	v10 =	vsub.f32 $1.000000000e+00, v12  }
0x12f: {  	[tilespmem:v59+s3+$0x0] =	vst.idx.add.f32.msk $0xffff, v52;
	v16 =	vmul.f32 v16, v37;
	v7 =	vmul.f32 v14, v37;
	v14 =	vsub.f32 $1.000000000e+00, v15  }
0x130: {  	v61 =	vmul.f32 v12, v15;
	[tilespmem:v11+s3+$0x0] =	vst.idx.add.f32.msk $0xffff, v13;
	v63 =	vmul.f32 v10, v15  }
0x131: {  	v11 =	vadd.s32 $0x1, v9;
	[tilespmem:v18+s3+$0x0] =	vst.idx.add.f32.msk $0xffff, v16;
	v10 =	vmul.f32 v10, v14;
	v15 =	vmul.f32 v12, v14  }
0x132: {  	v13 =	vadd.s32 $0x102, v9;
	v14 =	vmul.f32 v61, v62;
	[tilespmem:v17+s3+$0x0] =	vst.idx.add.f32.msk $0xffff, v7;
	v7 =	vmul.f32 v55, v19  }
0x133: {  	v12 =	vadd.s32 $0x103, v9;
	[tilespmem:v20+s3+$0x0] =	vst.idx.add.f32.msk $0xffff, v21;
	v18 =	vmul.f32 v10, v62;
	v17 =	vmul.f32 v15, v62  }
0x134: {  	s17 =	simm.s32 $0xE;
	v15 =	vadd.f32 v8, v3;
	v10 =	vmul.f32 v5, v4;
	v16 =	vmul.f32 v63, v62  }
.LBB2_16:
0x135: {  	p0 =	sne.s32 s17, $0x1;
	s17 =	sadd.s32 $0xFFFFFFFF, s17;
	v19 =	vmul.f32 v7, v1;
	v8 =	vmax.f32 v8, $0.0e+00;
	v20 =	vmax.f32 v6, $0.0e+00;
	[tilespmem:v9+s3+$0x0] =	vst.idx.add.f32.msk $0xffff, v18  }
0x136: {  	v8 =	vmin.f32 v8, $2.565000000e+02;
	v9 =	vmin.f32 v20, $2.565000000e+02;
	v20 =	vmul.f32 v10, v4;
	[tilespmem:v11+s3+$0x0] =	vst.idx.add.f32.msk $0xffff, v17  }
0x137: {  	v6 =	vadd.f32 v6, v2;
	v11 =	vtrunc.f32 v8;
	v17 =	vtrunc.f32 v9;
	[tilespmem:v13+s3+$0x0] =	vst.idx.add.f32.msk $0xffff, v16  }
0x138: {  	v16 =	vmax.f32 v15, $0.0e+00;
	v11 =	vcvt.f32.s32 v11;
	v13 =	vcvt.f32.s32 v17;
	[tilespmem:v12+s3+$0x0] =	vst.idx.add.f32.msk $0xffff, v14  }
0x139: {  	v12 =	vmin.f32 v16, $2.565000000e+02;
	v14 =	vmax.f32 v6, $0.0e+00;
	v6 =	vadd.f32 v6, v2  }
0x13a: {  	v14 =	vmin.f32 v14, $2.565000000e+02;
	v16 =	vcvt.s32.f32 v11;
	v17 =	vcvt.s32.f32 v13  }
0x13b: {  	v18 =	vtrunc.f32 v12;
	v11 =	vmul.u32 $0x102, v11;
	v21 =	vtrunc.f32 v14  }
0x13c: {  	v16 =	vsub.f32 v8, v16;
	v9 =	vsub.f32 v9, v17;
	v17 =	vcvt.f32.s32 v21  }
0x13d: {  	v11 =	vadd.s32 v13, v11;
	v13 =	vcvt.f32.s32 v18;
	v8 =	vadd.f32 v15, v3  }
0x13e: {  	v21 =	vadd.s32 $0x103, v11;
	v15 =	vsub.f32 $1.000000000e+00, v16;
	v18 =	vsub.f32 $1.000000000e+00, v9  }
0x13f: {  	v22 =	vadd.s32 $0x1, v11;
	v23 =	vmul.f32 v9, v16;
	v24 =	vcvt.s32.f32 v17  }
0x140: {  	v25 =	vmul.f32 v18, v15;
	v9 =	vmul.f32 v9, v15;
	v15 =	vmul.u32 $0x102, v13  }
0x141: {  	v26 =	vadd.s32 $0x102, v11;
	v16 =	vmul.f32 v18, v16;
	v13 =	vcvt.s32.f32 v13  }
0x142: {  	v14 =	vsub.f32 v14, v24;
	v18 =	vmul.f32 v25, v19;
	v25 =	vmul.f32 v9, v19  }
0x143: {  	v7 =	vmul.f32 v5, v7;
	v5 =	vmovc v20;
	v12 =	vsub.f32 v12, v13;
	v9 =	vadd.s32 v17, v15  }
0x144: {  	v13 =	vmul.f32 v16, v19;
	v15 =	vsub.f32 $1.000000000e+00, v14;
	[tilespmem:v11+s3+$0x0] =	vst.idx.add.f32.msk $0xffff, v18;
	v11 =	vadd.s32 $0x1, v9  }
0x145: {  	v16 =	vmul.f32 v23, v19;
	v17 =	vsub.f32 $1.000000000e+00, v12;
	v18 =	vmul.f32 v14, v12;
	[tilespmem:v22+s3+$0x0] =	vst.idx.add.f32.msk $0xffff, v25  }
.Ltmp6:
0x146: {  	v19 =	vmul.f32 v7, v1;
	v22 =	vmul.f32 v15, v12;
	[tilespmem:v26+s3+$0x0] =	vst.idx.add.f32.msk $0xffff, v13;
	v13 =	vadd.s32 $0x102, v9;
	(pc) =	sbr.rel @p0 .LBB2_16-.Ltmp6, $4  }
0x147: {  	v12 =	vadd.s32 $0x103, v9;
	v15 =	vmul.f32 v15, v17;
	[tilespmem:v21+s3+$0x0] =	vst.idx.add.f32.msk $0xffff, v16;
	v16 =	vmul.f32 v14, v17  }
0x148: {  	v7 =	vmul.f32 v10, v7;
	v14 =	vmul.f32 v18, v19  }
0x149: {  	v18 =	vmul.f32 v15, v19;
	v17 =	vmul.f32 v16, v19  }
0x14a: {  	v10 =	vmul.f32 v20, v4;
	v15 =	vadd.f32 v8, v3;
	v16 =	vmul.f32 v22, v19  }
0x14b: {  	v3 =	vmax.f32 v8, $0.0e+00  }
0x14c: {  	v4 =	vmax.f32 v6, $0.0e+00;
	v2 =	vadd.f32 v6, v2;
	v23 =	vmul.f32 v7, v1  }
0x14d: {  	v5 =	vmul.f32 v5, v7;
	v3 =	vmin.f32 v3, $2.565000000e+02;
	v4 =	vmin.f32 v4, $2.565000000e+02  }
0x14e: {  	v10 =	vmax.f32 v15, $0.0e+00;
	v42 =	vtrunc.f32 v3;
	v43 =	vtrunc.f32 v4  }
0x14f: {  	v10 =	vmin.f32 v10, $2.565000000e+02;
	v6 =	vcvt.f32.s32 v42;
	v8 =	vcvt.f32.s32 v43  }
0x150: {  	v2 =	vmax.f32 v2, $0.0e+00;
	v1 =	vmul.f32 v5, v1;
	v21 =	vtrunc.f32 v10  }
0x151: {  	v2 =	vmin.f32 v2, $2.565000000e+02;
	v44 =	vcvt.s32.f32 v6;
	v19 =	vcvt.s32.f32 v8  }
0x152: {  	v20 =	vtrunc.f32 v2;
	v45 =	vcvt.f32.s32 v21;
	v6 =	vmul.u32 $0x102, v6  }
0x153: {  	v20 =	vcvt.f32.s32 v20;
	v3 =	vsub.f32 v3, v44;
	v4 =	vsub.f32 v4, v19  }
0x154: {  	v22 =	vcvt.s32.f32 v45;
	v15 =	vmul.u32 $0x102, v45;
	v6 =	vadd.s32 v8, v6  }
0x155: {  	v46 =	vcvt.s32.f32 v20;
	v47 =	vsub.f32 $1.000000000e+00, v3;
	v48 =	vsub.f32 $1.000000000e+00, v4  }
0x156: {  	v49 =	vadd.s32 $0x103, v6;
	v50 =	vadd.s32 $0x1, v6;
	v10 =	vsub.f32 v10, v22  }
0x157: {  	[tilespmem:v9+s3+$0x0] =	vst.idx.add.f32.msk $0xffff, v18;
	v53 =	vadd.s32 $0x102, v6;
	v2 =	vsub.f32 v2, v46;
	v51 =	vmul.f32 v48, v47  }
0x158: {  	[tilespmem:v11+s3+$0x0] =	vst.idx.add.f32.msk $0xffff, v17;
	v56 =	vsub.f32 $1.000000000e+00, v10;
	v52 =	vmul.f32 v4, v47;
	v4 =	vmul.f32 v4, v3  }
0x159: {  	[tilespmem:v13+s3+$0x0] =	vst.idx.add.f32.msk $0xffff, v16;
	v3 =	vmul.f32 v48, v3;
	v55 =	vsub.f32 $1.000000000e+00, v2;
	v54 =	vmul.f32 v51, v23  }
0x15a: {  	[tilespmem:v12+s3+$0x0] =	vst.idx.add.f32.msk $0xffff, v14;
	v57 =	vadd.s32 v20, v15;
	v11 =	vmul.f32 v52, v23  }
0x15b: {  	v58 =	vadd.s32 $0x1, v57;
	v3 =	vmul.f32 v3, v23;
	v59 =	vmul.f32 v55, v56;
	[tilespmem:v6+s3+$0x0] =	vst.idx.add.f32.msk $0xffff, v54  }
0x15c: {  	v60 =	vadd.s32 $0x102, v57;
	v61 =	vmul.f32 v2, v56;
	v4 =	vmul.f32 v4, v23;
	[tilespmem:v50+s3+$0x0] =	vst.idx.add.f32.msk $0xffff, v11  }
0x15d: {  	p0 =	slt.u32 s16, $0x1E;
	v62 =	vadd.s32 $0x103, v57;
	v5 =	vmul.f32 v59, v1;
	[tilespmem:v53+s3+$0x0] =	vst.idx.add.f32.msk $0xffff, v3;
	v3 =	vmul.f32 v55, v10  }
.Ltmp7:
0x15e: {  	v2 =	vmul.f32 v2, v10;
	v63 =	vmul.f32 v61, v1;
	[tilespmem:v49+s3+$0x0] =	vst.idx.add.f32.msk $0xffff, v4;
	(pc) =	sbr.rel @p0 .LBB2_13-.Ltmp7, $4  }
0x15f: {  	v3 =	vmul.f32 v3, v1;
	[tilespmem:v57+s3+$0x0] =	vst.idx.add.f32.msk $0xffff, v5  }
0x160: {  	v1 =	vmul.f32 v2, v1;
	[tilespmem:v58+s3+$0x0] =	vst.idx.add.f32.msk $0xffff, v63  }
0x161: {  	s17 =	sadd.s32 $0x2, s16;
	[tilespmem:v60+s3+$0x0] =	vst.idx.add.f32.msk $0xffff, v3  }
0x162: {  	s16 =	smov.u32 s17;
	[tilespmem:v62+s3+$0x0] =	vst.idx.add.f32.msk $0xffff, v1  }
0x163: {  	s14 =	sadd.s32 $0x1, s14  }
0x164: {  	p0 =	sne.s32 s14, $0x19  }
.Ltmp8:
0x165: {  	_ = 	snop;
	(pc) =	sbr.rel @p0 .LBB2_12-.Ltmp8, $1  }
0x166: {  	_ =	sdelay $0x3  }
0x167: {  	s12 =	sadd.s32 $0x1, s12  }
0x168: {  	p0 =	sne.s32 s12, s7  }
.Ltmp9:
0x169: {  	_ = 	snop;
	(pc) =	sbr.rel @p0 .LBB2_1-.Ltmp9, $4  }
0x16a: {  	[hbm4b:s6+s10] =	stream.strided.scatter [tilespmem:s3], [sflag:$0x1], $0x10480, s11, s10, $0x38;
	[tilespmem:$0x15680] =	vst v63  }
0x16b: {  	_ =	swait.ge [sflag:s8], $0x10480  }
0x16c: {  	[sflag:s8] =	ssyncset.done $0x0  }
0x16d: {  	[sflag:s8] =	ssyncadd.s32 $0xFFFEFB80  }
0x16e: {  	_ =	sfence.sel $0x180000  }
0x16f: {  	[bflag:$0x0] =	sbarrier.arrive $0xFFFF  }
0x170: {  	p0 =	sne.s32 s0, $0x0;
	_ =	strace $0x90000047  }
0x171: {  	s0 =	sadd.s32 @!p0 $0x100000, s2;
	[bflag:$0x2] =	sbarrier.arrive $0xFFFF  }
0x172: {  	[sflag:s0] =	ssyncadd.tile.s32 @!p0 $0x1;
	_ =	shalt  }
.Lfunc_end2:
_tile_overlayer_lowered:
.L_overlay_start_2:
0x173: {  	(tag) =	ssettag $0x2  }
0x174: {  	s0 =	rddreg [dreg:$0x0];
	s2 =	stileid.u32  }
0x175: {  	s1 =	rddreg [dreg:$0x1];
	p0 =	sne.s32 s2, $0x0  }
0x176: {  	s3 =	rddreg [dreg:$0x2];
	[bflag:$0x3] =	sbarrier.arrive $0xFFFF;
	s2 =	simm.s32 @!p0 $0x1C02  }
0x177: {  	[timem:s3], [sflag:s2] =	dma.local @!p0 [hbm:s0], s1  }
0x178: {  	s0 =	simm.s32 @!p0 $0x2  }
0x179: {  	_ =	swait.ge @!p0 [sflag:s0], s1  }
0x17a: {  	s1 =	ssub.s32 @!p0 $0x0, s1;
	[sflag:s0] =	ssyncset.done @!p0 $0x0  }
0x17b: {  	[sflag:s0] =	ssyncadd.s32 @!p0 s1  }
0x17c: {  	[bflag:$0x3] =	sbarrier.arrive $0xFFFF  }
0x17d: {  	_ =	shalt  }

</sc_bundles>
